<compile_context>
chip_gen: v7x
topology: tpu7x:2x2x1
jax: 0.10.2.dev20260603
libtpu: 0.0.44.dev20260713+nightly
codegen_flags: <defaults>
</compile_context>

<pallas_src>
import functools

import jax
import jax.numpy as jnp
from jax import lax
from jax.experimental import pallas as pl
from jax.experimental.pallas import tpu as pltpu
from jax.experimental.pallas import tpu_sc as plsc

N = 10000
E = 320000
D = 128

NC = 2
NS = 16
NW = NC * NS
K = 40
CPT = E // NW // K
G = 50
NG = CPT // G
ZR = K
NZB = N // ZR
LANES = 16

ROWB = 2000


def _pre_body(x_ref, w1_ref, p_ref, q_ref):
    xb = x_ref[...]
    w = w1_ref[...]
    p_ref[...] = jnp.dot(xb, w[:D, :], preferred_element_type=jnp.float32)
    q_ref[...] = jnp.dot(xb, w[D:, :], preferred_element_type=jnp.float32)


def _post_body(a0_ref, a1_ref, w2_ref, o_ref):
    o_ref[...] = jnp.dot(a0_ref[...] + a1_ref[...], w2_ref[...],
                         preferred_element_type=jnp.float32)


_edge_mesh = plsc.VectorSubcoreMesh(
    core_axis_name="c", subcore_axis_name="s", num_cores=NC, num_subcores=NS)


@functools.partial(
    pl.kernel,
    mesh=_edge_mesh,
    out_type=jax.ShapeDtypeStruct((NC, N, D), jnp.float32),
    scratch_types=[
        pltpu.VMEM((G, K), jnp.int32),
        pltpu.VMEM((G, K), jnp.int32),
        pltpu.VMEM((K, D), jnp.float32),
        pltpu.VMEM((K, D), jnp.float32),
        pltpu.VMEM((K, D), jnp.float32),
        pltpu.VMEM((K, D), jnp.float32),
        pltpu.VMEM_SHARED((N, D), jnp.float32),
        pltpu.SemaphoreType.DMA,
        pltpu.SemaphoreType.DMA,
    ],
)
def _edge_kernel(p_hbm, q_hbm, src_hbm, dst_hbm, out_hbm,
                 src_v, dst_v, p0, p1, q0, q1, agg, sg0, sg1):
    c = lax.axis_index("c")
    s = lax.axis_index("s")
    wid = s * NC + c

    @pl.loop(0, K)
    def _zero_fill(r):
        for j in range(D // LANES):
            p0[r, pl.ds(j * LANES, LANES)] = jnp.zeros((LANES,), jnp.float32)

    @pl.loop(s, NZB, step=NS)
    def _zero_agg(k):
        pltpu.sync_copy(p0, agg.at[pl.ds(k * ZR, ZR)])

    plsc.subcore_barrier()

    bufs = ((p0, q0, sg0), (p1, q1, sg1))

    def _issue(i, pb, qb, sg):
        pltpu.async_copy(p_hbm.at[src_v.at[i]], pb, sg)
        pltpu.async_copy(q_hbm.at[dst_v.at[i]], qb, sg)

    def _chunk(i, b):
        pb, qb, sg = bufs[b]
        pltpu.make_async_copy(p_hbm.at[src_v.at[i]], pb, sg).wait()
        pltpu.make_async_copy(q_hbm.at[dst_v.at[i]], qb, sg).wait()

        opb, oqb, osg = bufs[1 - b]

        @pl.when(i + 1 < G)
        def _prefetch():
            _issue(i + 1, opb, oqb, osg)

        @pl.loop(0, K)
        def _row(r):
            for j in range(D // LANES):
                sl = pl.ds(j * LANES, LANES)
                pb[r, sl] = jnp.maximum(pb[r, sl] + qb[r, sl], 0.0)

        pltpu.sync_copy(pb, agg.at[dst_v.at[i]], add=True)

    @pl.loop(0, NG)
    def _group(g):
        pltpu.sync_copy(src_hbm.at[wid].at[g], src_v)
        pltpu.sync_copy(dst_hbm.at[wid].at[g], dst_v)
        _issue(0, p0, q0, sg0)

        @pl.loop(0, G, step=2)
        def _pair(i):
            _chunk(i, 0)
            _chunk(i + 1, 1)

    plsc.subcore_barrier()

    @pl.loop(s, NZB, step=NS)
    def _writeback(k):
        sl = pl.ds(k * ZR, ZR)
        pltpu.sync_copy(agg.at[sl], out_hbm.at[c].at[sl])


def kernel(x, edge_index, W1, W2):
    src3d = edge_index[0].reshape(NW, NG, G, K)
    dst3d = edge_index[1].reshape(NW, NG, G, K)

    p, q = pl.pallas_call(
        _pre_body,
        grid=(N // ROWB,),
        in_specs=[
            pl.BlockSpec((ROWB, D), lambda i: (i, 0)),
            pl.BlockSpec((2 * D, D), lambda i: (0, 0)),
        ],
        out_specs=[
            pl.BlockSpec((ROWB, D), lambda i: (i, 0)),
            pl.BlockSpec((ROWB, D), lambda i: (i, 0)),
        ],
        out_shape=[
            jax.ShapeDtypeStruct((N, D), jnp.float32),
            jax.ShapeDtypeStruct((N, D), jnp.float32),
        ],
    )(x, W1)

    parts = _edge_kernel(p, q, src3d, dst3d)

    out = pl.pallas_call(
        _post_body,
        grid=(N // ROWB,),
        in_specs=[
            pl.BlockSpec((ROWB, D), lambda i: (i, 0)),
            pl.BlockSpec((ROWB, D), lambda i: (i, 0)),
            pl.BlockSpec((D, D), lambda i: (0, 0)),
        ],
        out_specs=pl.BlockSpec((ROWB, D), lambda i: (i, 0)),
        out_shape=jax.ShapeDtypeStruct((N, D), jnp.float32),
    )(parts[0], parts[1], W2)

    return out

# --- scband reference (transcript-rebuilt; emitter-appended) ---
"""Pipeline reference for scband-flash-matching-model-35124242546949 (READ-ONLY COPY).

The authoritative reference and input builder live on the scoring server;
editing this copy changes nothing except your own understanding.
"""

import jax, jax.numpy as jnp
import numpy as np

N = 10000
E = 320000
D = 128

def setup_inputs(seed: int = 0) -> dict:
    key = jax.random.key(seed)
    k1, k2, k3, k4 = jax.random.split(key, 4)
    x = jax.random.normal(k1, (N, D), dtype=jnp.float32)
    edge_index = jax.random.randint(k2, (2, E), 0, N, dtype=jnp.int32)
    W1 = jax.random.normal(k3, (2 * D, D), dtype=jnp.float32) * 0.05
    W2 = jax.random.normal(k4, (D, D), dtype=jnp.float32) * 0.05
    return {"x": x, "edge_index": edge_index, "W1": W1, "W2": W2}

def reference(x, edge_index, W1, W2):
    # Bipartite edge-model GNN: per-edge gather of source (TPC-cluster) and
    # destination (PMT-flash) node features, edge-wise transform, and
    # scatter-add aggregation back to destination nodes.
    src = edge_index[0]
    dst = edge_index[1]
    h_src = jnp.take(x, src, axis=0)          # gather  [E, D]
    h_dst = jnp.take(x, dst, axis=0)          # gather  [E, D]
    msg = jnp.concatenate([h_src, h_dst], axis=-1) @ W1  # [E, D]
    msg = jax.nn.relu(msg)
    agg = jax.ops.segment_sum(msg, dst, num_segments=N)  # scatter-add [N, D]
    out = agg @ W2
    return out

if __name__ == "__main__":
    import jax
    _d = setup_inputs()
    print(jax.jit(kernel)(*tuple(_d.values())))

</pallas_src>

<mosaic_0001>
#map = affine_map<(d0, d1) -> (0, 0)>
#map1 = affine_map<(d0, d1) -> (0, 0, 0, 0)>
#map2 = affine_map<(d0, d1) -> (0, 0, 0)>
module attributes {stable_mosaic.version = 14 : i64} {
  func.func @_edge_kernel(%arg0: i32, %arg1: i32, %arg2: memref<10000x128xf32, #tpu.memory_space<hbm>>, %arg3: memref<10000x128xf32, #tpu.memory_space<hbm>>, %arg4: memref<32x5x50x40xi32, #tpu.memory_space<hbm>>, %arg5: memref<32x5x50x40xi32, #tpu.memory_space<hbm>>, %arg6: memref<2x10000x128xf32, #tpu.memory_space<hbm>>, %arg7: memref<50x40xi32, #tpu.memory_space<vmem>>, %arg8: memref<50x40xi32, #tpu.memory_space<vmem>>, %arg9: memref<40x128xf32, #tpu.memory_space<vmem>>, %arg10: memref<40x128xf32, #tpu.memory_space<vmem>>, %arg11: memref<40x128xf32, #tpu.memory_space<vmem>>, %arg12: memref<40x128xf32, #tpu.memory_space<vmem>>, %arg13: memref<10000x128xf32, #tpu.memory_space<vmem_shared>>, %arg14: memref<!tpu.dma_semaphore, #tpu.memory_space<semaphore_mem>>, %arg15: memref<!tpu.dma_semaphore, #tpu.memory_space<semaphore_mem>>) attributes {dimension_semantics = [#tpu.dimension_semantics<core_parallel>, #tpu.dimension_semantics<subcore_parallel>], iteration_bounds = array<i64: 2, 16>, scalar_prefetch = 0 : i64, scratch_operands = 9 : i64, tpu.core_type = #tpu.core_type<sc_vector_subcore>, window_params = [{transform_indices = #map}, {transform_indices = #map}, {transform_indices = #map1}, {transform_indices = #map1}, {transform_indices = #map2}]} {
    %mul3A = arith.constant 2 : i32
    %mul3A_0 = arith.muli %arg1, %mul3A : i32
    %add3A = arith.addi %mul3A_0, %arg0 : i32
    %scan3A = arith.constant 0 : i32
    %scan3A_1 = arith.constant 40 : i32
    %scan3A_2 = arith.addi %scan3A, %scan3A_1 : i32
    %scan3A_3 = arith.constant 1 : i32
    scf.for %scan3A_44 = %scan3A to %scan3A_2 step %scan3A_3  : i32 {
      %mul3A_45 = arith.constant 1 : i32
      %mul3A_46 = arith.muli %scan3A_44, %mul3A_45 : i32
      %add3A_47 = arith.constant 0 : i32
      %add3A_48 = arith.addi %add3A_47, %mul3A_46 : i32
      %broadcast_in_dim3A = arith.constant 0.000000e+00 : f32
      %broadcast_in_dim3A_49 = vector.broadcast %broadcast_in_dim3A : f32 to vector<16xf32>
      %swap3A = arith.index_cast %add3A_48 : i32 to index
      %swap3A_50 = arith.constant 0 : index
      %swap3A_51 = tpu.vector_load %arg9[%swap3A, %swap3A_50] {strides = array<i32>} : memref<40x128xf32, #tpu.memory_space<vmem>>, vector<1x16xf32>,
      %swap3A_52 = vector.shape_cast %swap3A_51 : vector<1x16xf32> to vector<16xf32>
      %swap3A_53 = vector.shape_cast %broadcast_in_dim3A_49 : vector<16xf32> to vector<1x16xf32>
      tpu.vector_store %arg9[%swap3A, %swap3A_50], %swap3A_53 {strides = array<i32>} : memref<40x128xf32, #tpu.memory_space<vmem>>, vector<1x16xf32>,
      %broadcast_in_dim3A_54 = arith.constant 0.000000e+00 : f32
      %broadcast_in_dim3A_55 = vector.broadcast %broadcast_in_dim3A_54 : f32 to vector<16xf32>
      %swap3A_56 = arith.index_cast %add3A_48 : i32 to index
      %swap3A_57 = arith.constant 16 : index
      %swap3A_58 = tpu.vector_load %arg9[%swap3A_56, %swap3A_57] {strides = array<i32>} : memref<40x128xf32, #tpu.memory_space<vmem>>, vector<1x16xf32>,
      %swap3A_59 = vector.shape_cast %swap3A_58 : vector<1x16xf32> to vector<16xf32>
      %swap3A_60 = vector.shape_cast %broadcast_in_dim3A_55 : vector<16xf32> to vector<1x16xf32>
      tpu.vector_store %arg9[%swap3A_56, %swap3A_57], %swap3A_60 {strides = array<i32>} : memref<40x128xf32, #tpu.memory_space<vmem>>, vector<1x16xf32>,
      %broadcast_in_dim3A_61 = arith.constant 0.000000e+00 : f32
      %broadcast_in_dim3A_62 = vector.broadcast %broadcast_in_dim3A_61 : f32 to vector<16xf32>
      %swap3A_63 = arith.index_cast %add3A_48 : i32 to index
      %swap3A_64 = arith.constant 32 : index
      %swap3A_65 = tpu.vector_load %arg9[%swap3A_63, %swap3A_64] {strides = array<i32>} : memref<40x128xf32, #tpu.memory_space<vmem>>, vector<1x16xf32>,
      %swap3A_66 = vector.shape_cast %swap3A_65 : vector<1x16xf32> to vector<16xf32>
      %swap3A_67 = vector.shape_cast %broadcast_in_dim3A_62 : vector<16xf32> to vector<1x16xf32>
      tpu.vector_store %arg9[%swap3A_63, %swap3A_64], %swap3A_67 {strides = array<i32>} : memref<40x128xf32, #tpu.memory_space<vmem>>, vector<1x16xf32>,
      %broadcast_in_dim3A_68 = arith.constant 0.000000e+00 : f32
      %broadcast_in_dim3A_69 = vector.broadcast %broadcast_in_dim3A_68 : f32 to vector<16xf32>
      %swap3A_70 = arith.index_cast %add3A_48 : i32 to index
      %swap3A_71 = arith.constant 48 : index
      %swap3A_72 = tpu.vector_load %arg9[%swap3A_70, %swap3A_71] {strides = array<i32>} : memref<40x128xf32, #tpu.memory_space<vmem>>, vector<1x16xf32>,
      %swap3A_73 = vector.shape_cast %swap3A_72 : vector<1x16xf32> to vector<16xf32>
      %swap3A_74 = vector.shape_cast %broadcast_in_dim3A_69 : vector<16xf32> to vector<1x16xf32>
      tpu.vector_store %arg9[%swap3A_70, %swap3A_71], %swap3A_74 {strides = array<i32>} : memref<40x128xf32, #tpu.memory_space<vmem>>, vector<1x16xf32>,
      %broadcast_in_dim3A_75 = arith.constant 0.000000e+00 : f32
      %broadcast_in_dim3A_76 = vector.broadcast %broadcast_in_dim3A_75 : f32 to vector<16xf32>
      %swap3A_77 = arith.index_cast %add3A_48 : i32 to index
      %swap3A_78 = arith.constant 64 : index
      %swap3A_79 = tpu.vector_load %arg9[%swap3A_77, %swap3A_78] {strides = array<i32>} : memref<40x128xf32, #tpu.memory_space<vmem>>, vector<1x16xf32>,
      %swap3A_80 = vector.shape_cast %swap3A_79 : vector<1x16xf32> to vector<16xf32>
      %swap3A_81 = vector.shape_cast %broadcast_in_dim3A_76 : vector<16xf32> to vector<1x16xf32>
      tpu.vector_store %arg9[%swap3A_77, %swap3A_78], %swap3A_81 {strides = array<i32>} : memref<40x128xf32, #tpu.memory_space<vmem>>, vector<1x16xf32>,
      %broadcast_in_dim3A_82 = arith.constant 0.000000e+00 : f32
      %broadcast_in_dim3A_83 = vector.broadcast %broadcast_in_dim3A_82 : f32 to vector<16xf32>
      %swap3A_84 = arith.index_cast %add3A_48 : i32 to index
      %swap3A_85 = arith.constant 80 : index
      %swap3A_86 = tpu.vector_load %arg9[%swap3A_84, %swap3A_85] {strides = array<i32>} : memref<40x128xf32, #tpu.memory_space<vmem>>, vector<1x16xf32>,
      %swap3A_87 = vector.shape_cast %swap3A_86 : vector<1x16xf32> to vector<16xf32>
      %swap3A_88 = vector.shape_cast %broadcast_in_dim3A_83 : vector<16xf32> to vector<1x16xf32>
      tpu.vector_store %arg9[%swap3A_84, %swap3A_85], %swap3A_88 {strides = array<i32>} : memref<40x128xf32, #tpu.memory_space<vmem>>, vector<1x16xf32>,
      %broadcast_in_dim3A_89 = arith.constant 0.000000e+00 : f32
      %broadcast_in_dim3A_90 = vector.broadcast %broadcast_in_dim3A_89 : f32 to vector<16xf32>
      %swap3A_91 = arith.index_cast %add3A_48 : i32 to index
      %swap3A_92 = arith.constant 96 : index
      %swap3A_93 = tpu.vector_load %arg9[%swap3A_91, %swap3A_92] {strides = array<i32>} : memref<40x128xf32, #tpu.memory_space<vmem>>, vector<1x16xf32>,
      %swap3A_94 = vector.shape_cast %swap3A_93 : vector<1x16xf32> to vector<16xf32>
      %swap3A_95 = vector.shape_cast %broadcast_in_dim3A_90 : vector<16xf32> to vector<1x16xf32>
      tpu.vector_store %arg9[%swap3A_91, %swap3A_92], %swap3A_95 {strides = array<i32>} : memref<40x128xf32, #tpu.memory_space<vmem>>, vector<1x16xf32>,
      %broadcast_in_dim3A_96 = arith.constant 0.000000e+00 : f32
      %broadcast_in_dim3A_97 = vector.broadcast %broadcast_in_dim3A_96 : f32 to vector<16xf32>
      %swap3A_98 = arith.index_cast %add3A_48 : i32 to index
      %swap3A_99 = arith.constant 112 : index
      %swap3A_100 = tpu.vector_load %arg9[%swap3A_98, %swap3A_99] {strides = array<i32>} : memref<40x128xf32, #tpu.memory_space<vmem>>, vector<1x16xf32>,
      %swap3A_101 = vector.shape_cast %swap3A_100 : vector<1x16xf32> to vector<16xf32>
      %swap3A_102 = vector.shape_cast %broadcast_in_dim3A_97 : vector<16xf32> to vector<1x16xf32>
      tpu.vector_store %arg9[%swap3A_98, %swap3A_99], %swap3A_102 {strides = array<i32>} : memref<40x128xf32, #tpu.memory_space<vmem>>, vector<1x16xf32>,
    }
    %scan3A_4 = arith.constant 40 : i32
    %sub3A = arith.constant 250 : i32
    %sub3A_5 = arith.subi %sub3A, %arg1 : i32
    %sub3A_6 = arith.constant 16 : i32
    %sub3A_7 = arith.constant 1 : i32
    %sub3A_8 = arith.subi %sub3A_6, %sub3A_7 : i32
    %add3A_9 = arith.addi %sub3A_5, %sub3A_8 : i32
    %div3A = arith.constant 16 : i32
    %div3A_10 = arith.divsi %add3A_9, %div3A : i32
    %while3A = arith.constant 16 : i32
    %while3A_11 = arith.constant 0 : i32
    %while3A_12 = arith.subi %div3A_10, %while3A_11 : i32
    %while3A_13 = arith.addi %while3A_11, %while3A_12 : i32
    %while3A_14 = arith.constant 1 : i32
    %while3A_15 = arith.divsi %while3A_12, %while3A_14 : i32
    %while3A_16 = arith.muli %while3A_15, %while3A_14 : i32
    %while3A_17 = arith.addi %while3A_11, %while3A_16 : i32
    %while3A_18 = arith.constant 1 : i32
    scf.for %while3A_44 = %while3A_11 to %while3A_17 step %while3A_18  : i32 {
      %mul3A_45 = arith.muli %while3A_44, %while3A : i32
      %add3A_46 = arith.addi %arg1, %mul3A_45 : i32
      %mul3A_47 = arith.constant 40 : i32
      %mul3A_48 = arith.muli %add3A_46, %mul3A_47 : i32
      "tpu.region"() ({
        %run_scoped3A = tpu.sem_alloc : memref<!tpu.dma_semaphore, #tpu.memory_space<semaphore_mem>>
        %dma_start3A = arith.constant 0 : i32
        %dma_start3A_49 = tpu.memref_slice %arg13[%mul3A_48, %dma_start3A] : memref<10000x128xf32, #tpu.memory_space<vmem_shared>> -> memref<40x128xf32, #tpu.memory_space<vmem_shared>>
        %dma_start3A_50 = arith.constant 0 : i32
        %dma_start3A_51 = tpu.memref_slice %arg13[%mul3A_48, %dma_start3A_50] : memref<10000x128xf32, #tpu.memory_space<vmem_shared>> -> memref<40x128xf32, #tpu.memory_space<vmem_shared>>
        tpu.enqueue_dma source(%arg9 : memref<40x128xf32, #tpu.memory_space<vmem>>) target(%dma_start3A_51 : memref<40x128xf32, #tpu.memory_space<vmem_shared>>) target_semaphore(%run_scoped3A : memref<!tpu.dma_semaphore, #tpu.memory_space<semaphore_mem>>)
        %dma_wait3A = arith.constant 0 : i32
        %dma_wait3A_52 = tpu.memref_slice %arg13[%mul3A_48, %dma_wait3A] : memref<10000x128xf32, #tpu.memory_space<vmem_shared>> -> memref<40x128xf32, #tpu.memory_space<vmem_shared>>
        %dma_wait3A_53 = arith.constant 0 : i32
        %dma_wait3A_54 = tpu.memref_slice %arg13[%mul3A_48, %dma_wait3A_53] : memref<10000x128xf32, #tpu.memory_space<vmem_shared>> -> memref<40x128xf32, #tpu.memory_space<vmem_shared>>
        tpu.wait_dma2 semaphore(%run_scoped3A : memref<!tpu.dma_semaphore, #tpu.memory_space<semaphore_mem>>) src(%arg9 : memref<40x128xf32, #tpu.memory_space<vmem>>) dst(%dma_wait3A_54 : memref<40x128xf32, #tpu.memory_space<vmem_shared>>)
        tpu.yield
      }) : () -> ()
    }
    %while3A_19 = arith.constant 1 : i32
    scf.for %while3A_44 = %while3A_17 to %while3A_13 step %while3A_19  : i32 {
      %mul3A_45 = arith.muli %while3A_44, %while3A : i32
      %add3A_46 = arith.addi %arg1, %mul3A_45 : i32
      %mul3A_47 = arith.constant 40 : i32
      %mul3A_48 = arith.muli %add3A_46, %mul3A_47 : i32
      "tpu.region"() ({
        %run_scoped3A = tpu.sem_alloc : memref<!tpu.dma_semaphore, #tpu.memory_space<semaphore_mem>>
        %dma_start3A = arith.constant 0 : i32
        %dma_start3A_49 = tpu.memref_slice %arg13[%mul3A_48, %dma_start3A] : memref<10000x128xf32, #tpu.memory_space<vmem_shared>> -> memref<40x128xf32, #tpu.memory_space<vmem_shared>>
        %dma_start3A_50 = arith.constant 0 : i32
        %dma_start3A_51 = tpu.memref_slice %arg13[%mul3A_48, %dma_start3A_50] : memref<10000x128xf32, #tpu.memory_space<vmem_shared>> -> memref<40x128xf32, #tpu.memory_space<vmem_shared>>
        tpu.enqueue_dma source(%arg9 : memref<40x128xf32, #tpu.memory_space<vmem>>) target(%dma_start3A_51 : memref<40x128xf32, #tpu.memory_space<vmem_shared>>) target_semaphore(%run_scoped3A : memref<!tpu.dma_semaphore, #tpu.memory_space<semaphore_mem>>)
        %dma_wait3A = arith.constant 0 : i32
        %dma_wait3A_52 = tpu.memref_slice %arg13[%mul3A_48, %dma_wait3A] : memref<10000x128xf32, #tpu.memory_space<vmem_shared>> -> memref<40x128xf32, #tpu.memory_space<vmem_shared>>
        %dma_wait3A_53 = arith.constant 0 : i32
        %dma_wait3A_54 = tpu.memref_slice %arg13[%mul3A_48, %dma_wait3A_53] : memref<10000x128xf32, #tpu.memory_space<vmem_shared>> -> memref<40x128xf32, #tpu.memory_space<vmem_shared>>
        tpu.wait_dma2 semaphore(%run_scoped3A : memref<!tpu.dma_semaphore, #tpu.memory_space<semaphore_mem>>) src(%arg9 : memref<40x128xf32, #tpu.memory_space<vmem>>) dst(%dma_wait3A_54 : memref<40x128xf32, #tpu.memory_space<vmem_shared>>)
        tpu.yield
      }) : () -> ()
    }
    %barrier3A = arith.constant 0 : index
    tpu.barrier barrier_id(%barrier3A)
    %scan3A_20 = arith.constant 0 : i32
    %scan3A_21 = arith.constant 5 : i32
    %scan3A_22 = arith.addi %scan3A_20, %scan3A_21 : i32
    %scan3A_23 = arith.constant 1 : i32
    scf.for %scan3A_44 = %scan3A_20 to %scan3A_22 step %scan3A_23  : i32 {
      %mul3A_45 = arith.constant 1 : i32
      %mul3A_46 = arith.muli %scan3A_44, %mul3A_45 : i32
      %add3A_47 = arith.constant 0 : i32
      %add3A_48 = arith.addi %add3A_47, %mul3A_46 : i32
      "tpu.region"() ({
        %run_scoped3A = tpu.sem_alloc : memref<!tpu.dma_semaphore, #tpu.memory_space<semaphore_mem>>
        %dma_start3A_67 = arith.constant 0 : i32
        %dma_start3A_68 = arith.constant 0 : i32
        %dma_start3A_69 = arith.constant 0 : i32
        %dma_start3A_70 = tpu.memref_slice %arg4[%add3A, %dma_start3A_67, %dma_start3A_68, %dma_start3A_69] : memref<32x5x50x40xi32, #tpu.memory_space<hbm>> -> memref<1x5x50x40xi32, #tpu.memory_space<hbm>>
        %dma_start3A_71 = tpu.memref_squeeze %dma_start3A_70 : memref<1x5x50x40xi32, #tpu.memory_space<hbm>> -> memref<5x50x40xi32, #tpu.memory_space<hbm>>
        %dma_start3A_72 = arith.constant 0 : i32
        %dma_start3A_73 = arith.constant 0 : i32
        %dma_start3A_74 = tpu.memref_slice %dma_start3A_71[%add3A_48, %dma_start3A_72, %dma_start3A_73] : memref<5x50x40xi32, #tpu.memory_space<hbm>> -> memref<1x50x40xi32, #tpu.memory_space<hbm>>
        %dma_start3A_75 = tpu.memref_squeeze %dma_start3A_74 : memref<1x50x40xi32, #tpu.memory_space<hbm>> -> memref<50x40xi32, #tpu.memory_space<hbm>>
        %dma_start3A_76 = arith.constant 0 : i32
        %dma_start3A_77 = arith.constant 0 : i32
        %dma_start3A_78 = arith.constant 0 : i32
        %dma_start3A_79 = tpu.memref_slice %arg4[%add3A, %dma_start3A_76, %dma_start3A_77, %dma_start3A_78] : memref<32x5x50x40xi32, #tpu.memory_space<hbm>> -> memref<1x5x50x40xi32, #tpu.memory_space<hbm>>
        %dma_start3A_80 = tpu.memref_squeeze %dma_start3A_79 : memref<1x5x50x40xi32, #tpu.memory_space<hbm>> -> memref<5x50x40xi32, #tpu.memory_space<hbm>>
        %dma_start3A_81 = arith.constant 0 : i32
        %dma_start3A_82 = arith.constant 0 : i32
        %dma_start3A_83 = tpu.memref_slice %dma_start3A_80[%add3A_48, %dma_start3A_81, %dma_start3A_82] : memref<5x50x40xi32, #tpu.memory_space<hbm>> -> memref<1x50x40xi32, #tpu.memory_space<hbm>>
        %dma_start3A_84 = tpu.memref_squeeze %dma_start3A_83 : memref<1x50x40xi32, #tpu.memory_space<hbm>> -> memref<50x40xi32, #tpu.memory_space<hbm>>
        tpu.enqueue_dma source(%dma_start3A_84 : memref<50x40xi32, #tpu.memory_space<hbm>>) target(%arg7 : memref<50x40xi32, #tpu.memory_space<vmem>>) target_semaphore(%run_scoped3A : memref<!tpu.dma_semaphore, #tpu.memory_space<semaphore_mem>>)
        %dma_wait3A = arith.constant 0 : i32
        %dma_wait3A_85 = arith.constant 0 : i32
        %dma_wait3A_86 = arith.constant 0 : i32
        %dma_wait3A_87 = tpu.memref_slice %arg4[%add3A, %dma_wait3A, %dma_wait3A_85, %dma_wait3A_86] : memref<32x5x50x40xi32, #tpu.memory_space<hbm>> -> memref<1x5x50x40xi32, #tpu.memory_space<hbm>>
        %dma_wait3A_88 = tpu.memref_squeeze %dma_wait3A_87 : memref<1x5x50x40xi32, #tpu.memory_space<hbm>> -> memref<5x50x40xi32, #tpu.memory_space<hbm>>
        %dma_wait3A_89 = arith.constant 0 : i32
        %dma_wait3A_90 = arith.constant 0 : i32
        %dma_wait3A_91 = tpu.memref_slice %dma_wait3A_88[%add3A_48, %dma_wait3A_89, %dma_wait3A_90] : memref<5x50x40xi32, #tpu.memory_space<hbm>> -> memref<1x50x40xi32, #tpu.memory_space<hbm>>
        %dma_wait3A_92 = tpu.memref_squeeze %dma_wait3A_91 : memref<1x50x40xi32, #tpu.memory_space<hbm>> -> memref<50x40xi32, #tpu.memory_space<hbm>>
        %dma_wait3A_93 = arith.constant 0 : i32
        %dma_wait3A_94 = arith.constant 0 : i32
        %dma_wait3A_95 = arith.constant 0 : i32
        %dma_wait3A_96 = tpu.memref_slice %arg4[%add3A, %dma_wait3A_93, %dma_wait3A_94, %dma_wait3A_95] : memref<32x5x50x40xi32, #tpu.memory_space<hbm>> -> memref<1x5x50x40xi32, #tpu.memory_space<hbm>>
        %dma_wait3A_97 = tpu.memref_squeeze %dma_wait3A_96 : memref<1x5x50x40xi32, #tpu.memory_space<hbm>> -> memref<5x50x40xi32, #tpu.memory_space<hbm>>
        %dma_wait3A_98 = arith.constant 0 : i32
        %dma_wait3A_99 = arith.constant 0 : i32
        %dma_wait3A_100 = tpu.memref_slice %dma_wait3A_97[%add3A_48, %dma_wait3A_98, %dma_wait3A_99] : memref<5x50x40xi32, #tpu.memory_space<hbm>> -> memref<1x50x40xi32, #tpu.memory_space<hbm>>
        %dma_wait3A_101 = tpu.memref_squeeze %dma_wait3A_100 : memref<1x50x40xi32, #tpu.memory_space<hbm>> -> memref<50x40xi32, #tpu.memory_space<hbm>>
        tpu.wait_dma2 semaphore(%run_scoped3A : memref<!tpu.dma_semaphore, #tpu.memory_space<semaphore_mem>>) src(%dma_wait3A_101 : memref<50x40xi32, #tpu.memory_space<hbm>>) dst(%arg7 : memref<50x40xi32, #tpu.memory_space<vmem>>)
        tpu.yield
      }) : () -> ()
      "tpu.region"() ({
        %run_scoped3A = tpu.sem_alloc : memref<!tpu.dma_semaphore, #tpu.memory_space<semaphore_mem>>
        %dma_start3A_67 = arith.constant 0 : i32
        %dma_start3A_68 = arith.constant 0 : i32
        %dma_start3A_69 = arith.constant 0 : i32
        %dma_start3A_70 = tpu.memref_slice %arg5[%add3A, %dma_start3A_67, %dma_start3A_68, %dma_start3A_69] : memref<32x5x50x40xi32, #tpu.memory_space<hbm>> -> memref<1x5x50x40xi32, #tpu.memory_space<hbm>>
        %dma_start3A_71 = tpu.memref_squeeze %dma_start3A_70 : memref<1x5x50x40xi32, #tpu.memory_space<hbm>> -> memref<5x50x40xi32, #tpu.memory_space<hbm>>
        %dma_start3A_72 = arith.constant 0 : i32
        %dma_start3A_73 = arith.constant 0 : i32
        %dma_start3A_74 = tpu.memref_slice %dma_start3A_71[%add3A_48, %dma_start3A_72, %dma_start3A_73] : memref<5x50x40xi32, #tpu.memory_space<hbm>> -> memref<1x50x40xi32, #tpu.memory_space<hbm>>
        %dma_start3A_75 = tpu.memref_squeeze %dma_start3A_74 : memref<1x50x40xi32, #tpu.memory_space<hbm>> -> memref<50x40xi32, #tpu.memory_space<hbm>>
        %dma_start3A_76 = arith.constant 0 : i32
        %dma_start3A_77 = arith.constant 0 : i32
        %dma_start3A_78 = arith.constant 0 : i32
        %dma_start3A_79 = tpu.memref_slice %arg5[%add3A, %dma_start3A_76, %dma_start3A_77, %dma_start3A_78] : memref<32x5x50x40xi32, #tpu.memory_space<hbm>> -> memref<1x5x50x40xi32, #tpu.memory_space<hbm>>
        %dma_start3A_80 = tpu.memref_squeeze %dma_start3A_79 : memref<1x5x50x40xi32, #tpu.memory_space<hbm>> -> memref<5x50x40xi32, #tpu.memory_space<hbm>>
        %dma_start3A_81 = arith.constant 0 : i32
        %dma_start3A_82 = arith.constant 0 : i32
        %dma_start3A_83 = tpu.memref_slice %dma_start3A_80[%add3A_48, %dma_start3A_81, %dma_start3A_82] : memref<5x50x40xi32, #tpu.memory_space<hbm>> -> memref<1x50x40xi32, #tpu.memory_space<hbm>>
        %dma_start3A_84 = tpu.memref_squeeze %dma_start3A_83 : memref<1x50x40xi32, #tpu.memory_space<hbm>> -> memref<50x40xi32, #tpu.memory_space<hbm>>
        tpu.enqueue_dma source(%dma_start3A_84 : memref<50x40xi32, #tpu.memory_space<hbm>>) target(%arg8 : memref<50x40xi32, #tpu.memory_space<vmem>>) target_semaphore(%run_scoped3A : memref<!tpu.dma_semaphore, #tpu.memory_space<semaphore_mem>>)
        %dma_wait3A = arith.constant 0 : i32
        %dma_wait3A_85 = arith.constant 0 : i32
        %dma_wait3A_86 = arith.constant 0 : i32
        %dma_wait3A_87 = tpu.memref_slice %arg5[%add3A, %dma_wait3A, %dma_wait3A_85, %dma_wait3A_86] : memref<32x5x50x40xi32, #tpu.memory_space<hbm>> -> memref<1x5x50x40xi32, #tpu.memory_space<hbm>>
        %dma_wait3A_88 = tpu.memref_squeeze %dma_wait3A_87 : memref<1x5x50x40xi32, #tpu.memory_space<hbm>> -> memref<5x50x40xi32, #tpu.memory_space<hbm>>
        %dma_wait3A_89 = arith.constant 0 : i32
        %dma_wait3A_90 = arith.constant 0 : i32
        %dma_wait3A_91 = tpu.memref_slice %dma_wait3A_88[%add3A_48, %dma_wait3A_89, %dma_wait3A_90] : memref<5x50x40xi32, #tpu.memory_space<hbm>> -> memref<1x50x40xi32, #tpu.memory_space<hbm>>
        %dma_wait3A_92 = tpu.memref_squeeze %dma_wait3A_91 : memref<1x50x40xi32, #tpu.memory_space<hbm>> -> memref<50x40xi32, #tpu.memory_space<hbm>>
        %dma_wait3A_93 = arith.constant 0 : i32
        %dma_wait3A_94 = arith.constant 0 : i32
        %dma_wait3A_95 = arith.constant 0 : i32
        %dma_wait3A_96 = tpu.memref_slice %arg5[%add3A, %dma_wait3A_93, %dma_wait3A_94, %dma_wait3A_95] : memref<32x5x50x40xi32, #tpu.memory_space<hbm>> -> memref<1x5x50x40xi32, #tpu.memory_space<hbm>>
        %dma_wait3A_97 = tpu.memref_squeeze %dma_wait3A_96 : memref<1x5x50x40xi32, #tpu.memory_space<hbm>> -> memref<5x50x40xi32, #tpu.memory_space<hbm>>
        %dma_wait3A_98 = arith.constant 0 : i32
        %dma_wait3A_99 = arith.constant 0 : i32
        %dma_wait3A_100 = tpu.memref_slice %dma_wait3A_97[%add3A_48, %dma_wait3A_98, %dma_wait3A_99] : memref<5x50x40xi32, #tpu.memory_space<hbm>> -> memref<1x50x40xi32, #tpu.memory_space<hbm>>
        %dma_wait3A_101 = tpu.memref_squeeze %dma_wait3A_100 : memref<1x50x40xi32, #tpu.memory_space<hbm>> -> memref<50x40xi32, #tpu.memory_space<hbm>>
        tpu.wait_dma2 semaphore(%run_scoped3A : memref<!tpu.dma_semaphore, #tpu.memory_space<semaphore_mem>>) src(%dma_wait3A_101 : memref<50x40xi32, #tpu.memory_space<hbm>>) dst(%arg8 : memref<50x40xi32, #tpu.memory_space<vmem>>)
        tpu.yield
      }) : () -> ()
      %dma_start3A = arith.constant 0 : i32
      %dma_start3A_49 = arith.constant 0 : i32
      %dma_start3A_50 = tpu.memref_slice %arg7[%dma_start3A, %dma_start3A_49] : memref<50x40xi32, #tpu.memory_space<vmem>> -> memref<1x40xi32, #tpu.memory_space<vmem>>
      %dma_start3A_51 = tpu.memref_squeeze %dma_start3A_50 : memref<1x40xi32, #tpu.memory_space<vmem>> -> memref<40xi32, #tpu.memory_space<vmem>>
      %dma_start3A_52 = arith.constant 0 : i32
      %dma_start3A_53 = arith.constant 0 : i32
      %dma_start3A_54 = tpu.memref_slice %arg2[%dma_start3A_52, %dma_start3A_53] : memref<10000x128xf32, #tpu.memory_space<hbm>> -> memref<10000x128xf32, #tpu.memory_space<hbm>>
      tpu.enqueue_indirect_dma source(%dma_start3A_54 : memref<10000x128xf32, #tpu.memory_space<hbm>>) target(%arg9 : memref<40x128xf32, #tpu.memory_space<vmem>>) offsets(%dma_start3A_51 : memref<40xi32, #tpu.memory_space<vmem>>) semaphore(%arg14 : memref<!tpu.dma_semaphore, #tpu.memory_space<semaphore_mem>>)
      %dma_start3A_55 = arith.constant 0 : i32
      %dma_start3A_56 = arith.constant 0 : i32
      %dma_start3A_57 = tpu.memref_slice %arg8[%dma_start3A_55, %dma_start3A_56] : memref<50x40xi32, #tpu.memory_space<vmem>> -> memref<1x40xi32, #tpu.memory_space<vmem>>
      %dma_start3A_58 = tpu.memref_squeeze %dma_start3A_57 : memref<1x40xi32, #tpu.memory_space<vmem>> -> memref<40xi32, #tpu.memory_space<vmem>>
      %dma_start3A_59 = arith.constant 0 : i32
      %dma_start3A_60 = arith.constant 0 : i32
      %dma_start3A_61 = tpu.memref_slice %arg3[%dma_start3A_59, %dma_start3A_60] : memref<10000x128xf32, #tpu.memory_space<hbm>> -> memref<10000x128xf32, #tpu.memory_space<hbm>>
      tpu.enqueue_indirect_dma source(%dma_start3A_61 : memref<10000x128xf32, #tpu.memory_space<hbm>>) target(%arg11 : memref<40x128xf32, #tpu.memory_space<vmem>>) offsets(%dma_start3A_58 : memref<40xi32, #tpu.memory_space<vmem>>) semaphore(%arg14 : memref<!tpu.dma_semaphore, #tpu.memory_space<semaphore_mem>>)
      %scan3A_62 = arith.constant 0 : i32
      %scan3A_63 = arith.constant 25 : i32
      %scan3A_64 = arith.addi %scan3A_62, %scan3A_63 : i32
      %scan3A_65 = arith.constant 1 : i32
      scf.for %scan3A_67 = %scan3A_62 to %scan3A_64 step %scan3A_65  : i32 {
        %mul3A_68 = arith.constant 2 : i32
        %mul3A_69 = arith.muli %scan3A_67, %mul3A_68 : i32
        %add3A_70 = arith.constant 0 : i32
        %add3A_71 = arith.addi %add3A_70, %mul3A_69 : i32
        %dma_wait3A = arith.constant 0 : i32
        %dma_wait3A_72 = tpu.memref_slice %arg7[%add3A_71, %dma_wait3A] : memref<50x40xi32, #tpu.memory_space<vmem>> -> memref<1x40xi32, #tpu.memory_space<vmem>>
        %dma_wait3A_73 = tpu.memref_squeeze %dma_wait3A_72 : memref<1x40xi32, #tpu.memory_space<vmem>> -> memref<40xi32, #tpu.memory_space<vmem>>
        %dma_wait3A_74 = arith.constant 0 : i32
        %dma_wait3A_75 = arith.constant 0 : i32
        %dma_wait3A_76 = tpu.memref_slice %arg2[%dma_wait3A_74, %dma_wait3A_75] : memref<10000x128xf32, #tpu.memory_space<hbm>> -> memref<10000x128xf32, #tpu.memory_space<hbm>>
        tpu.wait_indirect_dma semaphore(%arg14 : memref<!tpu.dma_semaphore, #tpu.memory_space<semaphore_mem>>) src(%dma_wait3A_76 : memref<10000x128xf32, #tpu.memory_space<hbm>>) dst(%arg9 : memref<40x128xf32, #tpu.memory_space<vmem>>)
        %dma_wait3A_77 = arith.constant 0 : i32
        %dma_wait3A_78 = tpu.memref_slice %arg8[%add3A_71, %dma_wait3A_77] : memref<50x40xi32, #tpu.memory_space<vmem>> -> memref<1x40xi32, #tpu.memory_space<vmem>>
        %dma_wait3A_79 = tpu.memref_squeeze %dma_wait3A_78 : memref<1x40xi32, #tpu.memory_space<vmem>> -> memref<40xi32, #tpu.memory_space<vmem>>
        %dma_wait3A_80 = arith.constant 0 : i32
        %dma_wait3A_81 = arith.constant 0 : i32
        %dma_wait3A_82 = tpu.memref_slice %arg3[%dma_wait3A_80, %dma_wait3A_81] : memref<10000x128xf32, #tpu.memory_space<hbm>> -> memref<10000x128xf32, #tpu.memory_space<hbm>>
        tpu.wait_indirect_dma semaphore(%arg14 : memref<!tpu.dma_semaphore, #tpu.memory_space<semaphore_mem>>) src(%dma_wait3A_82 : memref<10000x128xf32, #tpu.memory_space<hbm>>) dst(%arg11 : memref<40x128xf32, #tpu.memory_space<vmem>>)
        %add3A_83 = arith.constant 1 : i32
        %add3A_84 = arith.addi %add3A_71, %add3A_83 : i32
        %lt3A = arith.constant 50 : i32
        %lt3A_85 = arith.cmpi slt, %add3A_84, %lt3A : i32
        %convert_element_type3A = arith.extui %lt3A_85 : i1 to i32
        %cond3A = arith.constant 0 : i32
        %cond3A_86 = arith.cmpi ne, %convert_element_type3A, %cond3A : i32
        scf.if %cond3A_86 {
          %add3A_118 = arith.constant 1 : i32
          %add3A_119 = arith.addi %add3A_71, %add3A_118 : i32
          %dma_start3A_120 = arith.constant 0 : i32
          %dma_start3A_121 = tpu.memref_slice %arg7[%add3A_119, %dma_start3A_120] : memref<50x40xi32, #tpu.memory_space<vmem>> -> memref<1x40xi32, #tpu.memory_space<vmem>>
          %dma_start3A_122 = tpu.memref_squeeze %dma_start3A_121 : memref<1x40xi32, #tpu.memory_space<vmem>> -> memref<40xi32, #tpu.memory_space<vmem>>
          %dma_start3A_123 = arith.constant 0 : i32
          %dma_start3A_124 = arith.constant 0 : i32
          %dma_start3A_125 = tpu.memref_slice %arg2[%dma_start3A_123, %dma_start3A_124] : memref<10000x128xf32, #tpu.memory_space<hbm>> -> memref<10000x128xf32, #tpu.memory_space<hbm>>
          tpu.enqueue_indirect_dma source(%dma_start3A_125 : memref<10000x128xf32, #tpu.memory_space<hbm>>) target(%arg10 : memref<40x128xf32, #tpu.memory_space<vmem>>) offsets(%dma_start3A_122 : memref<40xi32, #tpu.memory_space<vmem>>) semaphore(%arg15 : memref<!tpu.dma_semaphore, #tpu.memory_space<semaphore_mem>>)
          %dma_start3A_126 = arith.constant 0 : i32
          %dma_start3A_127 = tpu.memref_slice %arg8[%add3A_119, %dma_start3A_126] : memref<50x40xi32, #tpu.memory_space<vmem>> -> memref<1x40xi32, #tpu.memory_space<vmem>>
          %dma_start3A_128 = tpu.memref_squeeze %dma_start3A_127 : memref<1x40xi32, #tpu.memory_space<vmem>> -> memref<40xi32, #tpu.memory_space<vmem>>
          %dma_start3A_129 = arith.constant 0 : i32
          %dma_start3A_130 = arith.constant 0 : i32
          %dma_start3A_131 = tpu.memref_slice %arg3[%dma_start3A_129, %dma_start3A_130] : memref<10000x128xf32, #tpu.memory_space<hbm>> -> memref<10000x128xf32, #tpu.memory_space<hbm>>
          tpu.enqueue_indirect_dma source(%dma_start3A_131 : memref<10000x128xf32, #tpu.memory_space<hbm>>) target(%arg12 : memref<40x128xf32, #tpu.memory_space<vmem>>) offsets(%dma_start3A_128 : memref<40xi32, #tpu.memory_space<vmem>>) semaphore(%arg15 : memref<!tpu.dma_semaphore, #tpu.memory_space<semaphore_mem>>)
        } else {
        }
        %scan3A_87 = arith.constant 0 : i32
        %scan3A_88 = arith.constant 40 : i32
        %scan3A_89 = arith.addi %scan3A_87, %scan3A_88 : i32
        %scan3A_90 = arith.constant 1 : i32
        scf.for %scan3A_118 = %scan3A_87 to %scan3A_89 step %scan3A_90  : i32 {
          %mul3A_119 = arith.constant 1 : i32
          %mul3A_120 = arith.muli %scan3A_118, %mul3A_119 : i32
          %add3A_121 = arith.constant 0 : i32
          %add3A_122 = arith.addi %add3A_121, %mul3A_120 : i32
          %get3A = arith.index_cast %add3A_122 : i32 to index
          %get3A_123 = arith.constant 0 : index
          %get3A_124 = tpu.vector_load %arg9[%get3A, %get3A_123] {strides = array<i32>} : memref<40x128xf32, #tpu.memory_space<vmem>>, vector<1x16xf32>,
          %get3A_125 = vector.shape_cast %get3A_124 : vector<1x16xf32> to vector<16xf32>
          %get3A_126 = arith.index_cast %add3A_122 : i32 to index
          %get3A_127 = arith.constant 0 : index
          %get3A_128 = tpu.vector_load %arg11[%get3A_126, %get3A_127] {strides = array<i32>} : memref<40x128xf32, #tpu.memory_space<vmem>>, vector<1x16xf32>,
          %get3A_129 = vector.shape_cast %get3A_128 : vector<1x16xf32> to vector<16xf32>
          %add3A_130 = arith.addf %get3A_125, %get3A_129 : vector<16xf32>
          %max3A = arith.constant 0.000000e+00 : f32
          %max3A_131 = vector.broadcast %max3A : f32 to vector<16xf32>
          %max3A_132 = arith.maximumf %add3A_130, %max3A_131 : vector<16xf32>
          %swap3A = arith.index_cast %add3A_122 : i32 to index
          %swap3A_133 = arith.constant 0 : index
          %swap3A_134 = tpu.vector_load %arg9[%swap3A, %swap3A_133] {strides = array<i32>} : memref<40x128xf32, #tpu.memory_space<vmem>>, vector<1x16xf32>,
          %swap3A_135 = vector.shape_cast %swap3A_134 : vector<1x16xf32> to vector<16xf32>
          %swap3A_136 = vector.shape_cast %max3A_132 : vector<16xf32> to vector<1x16xf32>
          tpu.vector_store %arg9[%swap3A, %swap3A_133], %swap3A_136 {strides = array<i32>} : memref<40x128xf32, #tpu.memory_space<vmem>>, vector<1x16xf32>,
          %get3A_137 = arith.index_cast %add3A_122 : i32 to index
          %get3A_138 = arith.constant 16 : index
          %get3A_139 = tpu.vector_load %arg9[%get3A_137, %get3A_138] {strides = array<i32>} : memref<40x128xf32, #tpu.memory_space<vmem>>, vector<1x16xf32>,
          %get3A_140 = vector.shape_cast %get3A_139 : vector<1x16xf32> to vector<16xf32>
          %get3A_141 = arith.index_cast %add3A_122 : i32 to index
          %get3A_142 = arith.constant 16 : index
          %get3A_143 = tpu.vector_load %arg11[%get3A_141, %get3A_142] {strides = array<i32>} : memref<40x128xf32, #tpu.memory_space<vmem>>, vector<1x16xf32>,
          %get3A_144 = vector.shape_cast %get3A_143 : vector<1x16xf32> to vector<16xf32>
          %add3A_145 = arith.addf %get3A_140, %get3A_144 : vector<16xf32>
          %max3A_146 = arith.constant 0.000000e+00 : f32
          %max3A_147 = vector.broadcast %max3A_146 : f32 to vector<16xf32>
          %max3A_148 = arith.maximumf %add3A_145, %max3A_147 : vector<16xf32>
          %swap3A_149 = arith.index_cast %add3A_122 : i32 to index
          %swap3A_150 = arith.constant 16 : index
          %swap3A_151 = tpu.vector_load %arg9[%swap3A_149, %swap3A_150] {strides = array<i32>} : memref<40x128xf32, #tpu.memory_space<vmem>>, vector<1x16xf32>,
          %swap3A_152 = vector.shape_cast %swap3A_151 : vector<1x16xf32> to vector<16xf32>
          %swap3A_153 = vector.shape_cast %max3A_148 : vector<16xf32> to vector<1x16xf32>
          tpu.vector_store %arg9[%swap3A_149, %swap3A_150], %swap3A_153 {strides = array<i32>} : memref<40x128xf32, #tpu.memory_space<vmem>>, vector<1x16xf32>,
          %get3A_154 = arith.index_cast %add3A_122 : i32 to index
          %get3A_155 = arith.constant 32 : index
          %get3A_156 = tpu.vector_load %arg9[%get3A_154, %get3A_155] {strides = array<i32>} : memref<40x128xf32, #tpu.memory_space<vmem>>, vector<1x16xf32>,
          %get3A_157 = vector.shape_cast %get3A_156 : vector<1x16xf32> to vector<16xf32>
          %get3A_158 = arith.index_cast %add3A_122 : i32 to index
          %get3A_159 = arith.constant 32 : index
          %get3A_160 = tpu.vector_load %arg11[%get3A_158, %get3A_159] {strides = array<i32>} : memref<40x128xf32, #tpu.memory_space<vmem>>, vector<1x16xf32>,
          %get3A_161 = vector.shape_cast %get3A_160 : vector<1x16xf32> to vector<16xf32>
          %add3A_162 = arith.addf %get3A_157, %get3A_161 : vector<16xf32>
          %max3A_163 = arith.constant 0.000000e+00 : f32
          %max3A_164 = vector.broadcast %max3A_163 : f32 to vector<16xf32>
          %max3A_165 = arith.maximumf %add3A_162, %max3A_164 : vector<16xf32>
          %swap3A_166 = arith.index_cast %add3A_122 : i32 to index
          %swap3A_167 = arith.constant 32 : index
          %swap3A_168 = tpu.vector_load %arg9[%swap3A_166, %swap3A_167] {strides = array<i32>} : memref<40x128xf32, #tpu.memory_space<vmem>>, vector<1x16xf32>,
          %swap3A_169 = vector.shape_cast %swap3A_168 : vector<1x16xf32> to vector<16xf32>
          %swap3A_170 = vector.shape_cast %max3A_165 : vector<16xf32> to vector<1x16xf32>
          tpu.vector_store %arg9[%swap3A_166, %swap3A_167], %swap3A_170 {strides = array<i32>} : memref<40x128xf32, #tpu.memory_space<vmem>>, vector<1x16xf32>,
          %get3A_171 = arith.index_cast %add3A_122 : i32 to index
          %get3A_172 = arith.constant 48 : index
          %get3A_173 = tpu.vector_load %arg9[%get3A_171, %get3A_172] {strides = array<i32>} : memref<40x128xf32, #tpu.memory_space<vmem>>, vector<1x16xf32>,
          %get3A_174 = vector.shape_cast %get3A_173 : vector<1x16xf32> to vector<16xf32>
          %get3A_175 = arith.index_cast %add3A_122 : i32 to index
          %get3A_176 = arith.constant 48 : index
          %get3A_177 = tpu.vector_load %arg11[%get3A_175, %get3A_176] {strides = array<i32>} : memref<40x128xf32, #tpu.memory_space<vmem>>, vector<1x16xf32>,
          %get3A_178 = vector.shape_cast %get3A_177 : vector<1x16xf32> to vector<16xf32>
          %add3A_179 = arith.addf %get3A_174, %get3A_178 : vector<16xf32>
          %max3A_180 = arith.constant 0.000000e+00 : f32
          %max3A_181 = vector.broadcast %max3A_180 : f32 to vector<16xf32>
          %max3A_182 = arith.maximumf %add3A_179, %max3A_181 : vector<16xf32>
          %swap3A_183 = arith.index_cast %add3A_122 : i32 to index
          %swap3A_184 = arith.constant 48 : index
          %swap3A_185 = tpu.vector_load %arg9[%swap3A_183, %swap3A_184] {strides = array<i32>} : memref<40x128xf32, #tpu.memory_space<vmem>>, vector<1x16xf32>,
          %swap3A_186 = vector.shape_cast %swap3A_185 : vector<1x16xf32> to vector<16xf32>
          %swap3A_187 = vector.shape_cast %max3A_182 : vector<16xf32> to vector<1x16xf32>
          tpu.vector_store %arg9[%swap3A_183, %swap3A_184], %swap3A_187 {strides = array<i32>} : memref<40x128xf32, #tpu.memory_space<vmem>>, vector<1x16xf32>,
          %get3A_188 = arith.index_cast %add3A_122 : i32 to index
          %get3A_189 = arith.constant 64 : index
          %get3A_190 = tpu.vector_load %arg9[%get3A_188, %get3A_189] {strides = array<i32>} : memref<40x128xf32, #tpu.memory_space<vmem>>, vector<1x16xf32>,
          %get3A_191 = vector.shape_cast %get3A_190 : vector<1x16xf32> to vector<16xf32>
          %get3A_192 = arith.index_cast %add3A_122 : i32 to index
          %get3A_193 = arith.constant 64 : index
          %get3A_194 = tpu.vector_load %arg11[%get3A_192, %get3A_193] {strides = array<i32>} : memref<40x128xf32, #tpu.memory_space<vmem>>, vector<1x16xf32>,
          %get3A_195 = vector.shape_cast %get3A_194 : vector<1x16xf32> to vector<16xf32>
          %add3A_196 = arith.addf %get3A_191, %get3A_195 : vector<16xf32>
          %max3A_197 = arith.constant 0.000000e+00 : f32
          %max3A_198 = vector.broadcast %max3A_197 : f32 to vector<16xf32>
          %max3A_199 = arith.maximumf %add3A_196, %max3A_198 : vector<16xf32>
          %swap3A_200 = arith.index_cast %add3A_122 : i32 to index
          %swap3A_201 = arith.constant 64 : index
          %swap3A_202 = tpu.vector_load %arg9[%swap3A_200, %swap3A_201] {strides = array<i32>} : memref<40x128xf32, #tpu.memory_space<vmem>>, vector<1x16xf32>,
          %swap3A_203 = vector.shape_cast %swap3A_202 : vector<1x16xf32> to vector<16xf32>
          %swap3A_204 = vector.shape_cast %max3A_199 : vector<16xf32> to vector<1x16xf32>
          tpu.vector_store %arg9[%swap3A_200, %swap3A_201], %swap3A_204 {strides = array<i32>} : memref<40x128xf32, #tpu.memory_space<vmem>>, vector<1x16xf32>,
          %get3A_205 = arith.index_cast %add3A_122 : i32 to index
          %get3A_206 = arith.constant 80 : index
          %get3A_207 = tpu.vector_load %arg9[%get3A_205, %get3A_206] {strides = array<i32>} : memref<40x128xf32, #tpu.memory_space<vmem>>, vector<1x16xf32>,
          %get3A_208 = vector.shape_cast %get3A_207 : vector<1x16xf32> to vector<16xf32>
          %get3A_209 = arith.index_cast %add3A_122 : i32 to index
          %get3A_210 = arith.constant 80 : index
          %get3A_211 = tpu.vector_load %arg11[%get3A_209, %get3A_210] {strides = array<i32>} : memref<40x128xf32, #tpu.memory_space<vmem>>, vector<1x16xf32>,
          %get3A_212 = vector.shape_cast %get3A_211 : vector<1x16xf32> to vector<16xf32>
          %add3A_213 = arith.addf %get3A_208, %get3A_212 : vector<16xf32>
          %max3A_214 = arith.constant 0.000000e+00 : f32
          %max3A_215 = vector.broadcast %max3A_214 : f32 to vector<16xf32>
          %max3A_216 = arith.maximumf %add3A_213, %max3A_215 : vector<16xf32>
          %swap3A_217 = arith.index_cast %add3A_122 : i32 to index
          %swap3A_218 = arith.constant 80 : index
          %swap3A_219 = tpu.vector_load %arg9[%swap3A_217, %swap3A_218] {strides = array<i32>} : memref<40x128xf32, #tpu.memory_space<vmem>>, vector<1x16xf32>,
          %swap3A_220 = vector.shape_cast %swap3A_219 : vector<1x16xf32> to vector<16xf32>
          %swap3A_221 = vector.shape_cast %max3A_216 : vector<16xf32> to vector<1x16xf32>
          tpu.vector_store %arg9[%swap3A_217, %swap3A_218], %swap3A_221 {strides = array<i32>} : memref<40x128xf32, #tpu.memory_space<vmem>>, vector<1x16xf32>,
          %get3A_222 = arith.index_cast %add3A_122 : i32 to index
          %get3A_223 = arith.constant 96 : index
          %get3A_224 = tpu.vector_load %arg9[%get3A_222, %get3A_223] {strides = array<i32>} : memref<40x128xf32, #tpu.memory_space<vmem>>, vector<1x16xf32>,
          %get3A_225 = vector.shape_cast %get3A_224 : vector<1x16xf32> to vector<16xf32>
          %get3A_226 = arith.index_cast %add3A_122 : i32 to index
          %get3A_227 = arith.constant 96 : index
          %get3A_228 = tpu.vector_load %arg11[%get3A_226, %get3A_227] {strides = array<i32>} : memref<40x128xf32, #tpu.memory_space<vmem>>, vector<1x16xf32>,
          %get3A_229 = vector.shape_cast %get3A_228 : vector<1x16xf32> to vector<16xf32>
          %add3A_230 = arith.addf %get3A_225, %get3A_229 : vector<16xf32>
          %max3A_231 = arith.constant 0.000000e+00 : f32
          %max3A_232 = vector.broadcast %max3A_231 : f32 to vector<16xf32>
          %max3A_233 = arith.maximumf %add3A_230, %max3A_232 : vector<16xf32>
          %swap3A_234 = arith.index_cast %add3A_122 : i32 to index
          %swap3A_235 = arith.constant 96 : index
          %swap3A_236 = tpu.vector_load %arg9[%swap3A_234, %swap3A_235] {strides = array<i32>} : memref<40x128xf32, #tpu.memory_space<vmem>>, vector<1x16xf32>,
          %swap3A_237 = vector.shape_cast %swap3A_236 : vector<1x16xf32> to vector<16xf32>
          %swap3A_238 = vector.shape_cast %max3A_233 : vector<16xf32> to vector<1x16xf32>
          tpu.vector_store %arg9[%swap3A_234, %swap3A_235], %swap3A_238 {strides = array<i32>} : memref<40x128xf32, #tpu.memory_space<vmem>>, vector<1x16xf32>,
          %get3A_239 = arith.index_cast %add3A_122 : i32 to index
          %get3A_240 = arith.constant 112 : index
          %get3A_241 = tpu.vector_load %arg9[%get3A_239, %get3A_240] {strides = array<i32>} : memref<40x128xf32, #tpu.memory_space<vmem>>, vector<1x16xf32>,
          %get3A_242 = vector.shape_cast %get3A_241 : vector<1x16xf32> to vector<16xf32>
          %get3A_243 = arith.index_cast %add3A_122 : i32 to index
          %get3A_244 = arith.constant 112 : index
          %get3A_245 = tpu.vector_load %arg11[%get3A_243, %get3A_244] {strides = array<i32>} : memref<40x128xf32, #tpu.memory_space<vmem>>, vector<1x16xf32>,
          %get3A_246 = vector.shape_cast %get3A_245 : vector<1x16xf32> to vector<16xf32>
          %add3A_247 = arith.addf %get3A_242, %get3A_246 : vector<16xf32>
          %max3A_248 = arith.constant 0.000000e+00 : f32
          %max3A_249 = vector.broadcast %max3A_248 : f32 to vector<16xf32>
          %max3A_250 = arith.maximumf %add3A_247, %max3A_249 : vector<16xf32>
          %swap3A_251 = arith.index_cast %add3A_122 : i32 to index
          %swap3A_252 = arith.constant 112 : index
          %swap3A_253 = tpu.vector_load %arg9[%swap3A_251, %swap3A_252] {strides = array<i32>} : memref<40x128xf32, #tpu.memory_space<vmem>>, vector<1x16xf32>,
          %swap3A_254 = vector.shape_cast %swap3A_253 : vector<1x16xf32> to vector<16xf32>
          %swap3A_255 = vector.shape_cast %max3A_250 : vector<16xf32> to vector<1x16xf32>
          tpu.vector_store %arg9[%swap3A_251, %swap3A_252], %swap3A_255 {strides = array<i32>} : memref<40x128xf32, #tpu.memory_space<vmem>>, vector<1x16xf32>,
        }
        %scan3A_91 = arith.constant 40 : i32
        "tpu.region"() ({
          %run_scoped3A = tpu.sem_alloc : memref<!tpu.dma_semaphore, #tpu.memory_space<semaphore_mem>>
          %dma_start3A_118 = arith.constant 0 : i32
          %dma_start3A_119 = tpu.memref_slice %arg8[%add3A_71, %dma_start3A_118] : memref<50x40xi32, #tpu.memory_space<vmem>> -> memref<1x40xi32, #tpu.memory_space<vmem>>
          %dma_start3A_120 = tpu.memref_squeeze %dma_start3A_119 : memref<1x40xi32, #tpu.memory_space<vmem>> -> memref<40xi32, #tpu.memory_space<vmem>>
          %dma_start3A_121 = arith.constant 0 : i32
          %dma_start3A_122 = arith.constant 0 : i32
          %dma_start3A_123 = tpu.memref_slice %arg13[%dma_start3A_121, %dma_start3A_122] : memref<10000x128xf32, #tpu.memory_space<vmem_shared>> -> memref<10000x128xf32, #tpu.memory_space<vmem_shared>>
          tpu.enqueue_indirect_dma source(%arg9 : memref<40x128xf32, #tpu.memory_space<vmem>>) target(%dma_start3A_123 : memref<10000x128xf32, #tpu.memory_space<vmem_shared>>) offsets(%dma_start3A_120 : memref<40xi32, #tpu.memory_space<vmem>>) semaphore(%run_scoped3A : memref<!tpu.dma_semaphore, #tpu.memory_space<semaphore_mem>>) {add = true}
          %dma_wait3A_124 = arith.constant 0 : i32
          %dma_wait3A_125 = tpu.memref_slice %arg8[%add3A_71, %dma_wait3A_124] : memref<50x40xi32, #tpu.memory_space<vmem>> -> memref<1x40xi32, #tpu.memory_space<vmem>>
          %dma_wait3A_126 = tpu.memref_squeeze %dma_wait3A_125 : memref<1x40xi32, #tpu.memory_space<vmem>> -> memref<40xi32, #tpu.memory_space<vmem>>
          %dma_wait3A_127 = arith.constant 0 : i32
          %dma_wait3A_128 = arith.constant 0 : i32
          %dma_wait3A_129 = tpu.memref_slice %arg13[%dma_wait3A_127, %dma_wait3A_128] : memref<10000x128xf32, #tpu.memory_space<vmem_shared>> -> memref<10000x128xf32, #tpu.memory_space<vmem_shared>>
          tpu.wait_indirect_dma semaphore(%run_scoped3A : memref<!tpu.dma_semaphore, #tpu.memory_space<semaphore_mem>>) src(%arg9 : memref<40x128xf32, #tpu.memory_space<vmem>>) dst(%dma_wait3A_129 : memref<10000x128xf32, #tpu.memory_space<vmem_shared>>)
          tpu.yield
        }) : () -> ()
        %add3A_92 = arith.constant 1 : i32
        %add3A_93 = arith.addi %add3A_71, %add3A_92 : i32
        %dma_wait3A_94 = arith.constant 0 : i32
        %dma_wait3A_95 = tpu.memref_slice %arg7[%add3A_93, %dma_wait3A_94] : memref<50x40xi32, #tpu.memory_space<vmem>> -> memref<1x40xi32, #tpu.memory_space<vmem>>
        %dma_wait3A_96 = tpu.memref_squeeze %dma_wait3A_95 : memref<1x40xi32, #tpu.memory_space<vmem>> -> memref<40xi32, #tpu.memory_space<vmem>>
        %dma_wait3A_97 = arith.constant 0 : i32
        %dma_wait3A_98 = arith.constant 0 : i32
        %dma_wait3A_99 = tpu.memref_slice %arg2[%dma_wait3A_97, %dma_wait3A_98] : memref<10000x128xf32, #tpu.memory_space<hbm>> -> memref<10000x128xf32, #tpu.memory_space<hbm>>
        tpu.wait_indirect_dma semaphore(%arg15 : memref<!tpu.dma_semaphore, #tpu.memory_space<semaphore_mem>>) src(%dma_wait3A_99 : memref<10000x128xf32, #tpu.memory_space<hbm>>) dst(%arg10 : memref<40x128xf32, #tpu.memory_space<vmem>>)
        %dma_wait3A_100 = arith.constant 0 : i32
        %dma_wait3A_101 = tpu.memref_slice %arg8[%add3A_93, %dma_wait3A_100] : memref<50x40xi32, #tpu.memory_space<vmem>> -> memref<1x40xi32, #tpu.memory_space<vmem>>
        %dma_wait3A_102 = tpu.memref_squeeze %dma_wait3A_101 : memref<1x40xi32, #tpu.memory_space<vmem>> -> memref<40xi32, #tpu.memory_space<vmem>>
        %dma_wait3A_103 = arith.constant 0 : i32
        %dma_wait3A_104 = arith.constant 0 : i32
        %dma_wait3A_105 = tpu.memref_slice %arg3[%dma_wait3A_103, %dma_wait3A_104] : memref<10000x128xf32, #tpu.memory_space<hbm>> -> memref<10000x128xf32, #tpu.memory_space<hbm>>
        tpu.wait_indirect_dma semaphore(%arg15 : memref<!tpu.dma_semaphore, #tpu.memory_space<semaphore_mem>>) src(%dma_wait3A_105 : memref<10000x128xf32, #tpu.memory_space<hbm>>) dst(%arg12 : memref<40x128xf32, #tpu.memory_space<vmem>>)
        %add3A_106 = arith.constant 1 : i32
        %add3A_107 = arith.addi %add3A_93, %add3A_106 : i32
        %lt3A_108 = arith.constant 50 : i32
        %lt3A_109 = arith.cmpi slt, %add3A_107, %lt3A_108 : i32
        %convert_element_type3A_110 = arith.extui %lt3A_109 : i1 to i32
        %cond3A_111 = arith.constant 0 : i32
        %cond3A_112 = arith.cmpi ne, %convert_element_type3A_110, %cond3A_111 : i32
        scf.if %cond3A_112 {
          %add3A_118 = arith.constant 1 : i32
          %add3A_119 = arith.addi %add3A_93, %add3A_118 : i32
          %dma_start3A_120 = arith.constant 0 : i32
          %dma_start3A_121 = tpu.memref_slice %arg7[%add3A_119, %dma_start3A_120] : memref<50x40xi32, #tpu.memory_space<vmem>> -> memref<1x40xi32, #tpu.memory_space<vmem>>
          %dma_start3A_122 = tpu.memref_squeeze %dma_start3A_121 : memref<1x40xi32, #tpu.memory_space<vmem>> -> memref<40xi32, #tpu.memory_space<vmem>>
          %dma_start3A_123 = arith.constant 0 : i32
          %dma_start3A_124 = arith.constant 0 : i32
          %dma_start3A_125 = tpu.memref_slice %arg2[%dma_start3A_123, %dma_start3A_124] : memref<10000x128xf32, #tpu.memory_space<hbm>> -> memref<10000x128xf32, #tpu.memory_space<hbm>>
          tpu.enqueue_indirect_dma source(%dma_start3A_125 : memref<10000x128xf32, #tpu.memory_space<hbm>>) target(%arg9 : memref<40x128xf32, #tpu.memory_space<vmem>>) offsets(%dma_start3A_122 : memref<40xi32, #tpu.memory_space<vmem>>) semaphore(%arg14 : memref<!tpu.dma_semaphore, #tpu.memory_space<semaphore_mem>>)
          %dma_start3A_126 = arith.constant 0 : i32
          %dma_start3A_127 = tpu.memref_slice %arg8[%add3A_119, %dma_start3A_126] : memref<50x40xi32, #tpu.memory_space<vmem>> -> memref<1x40xi32, #tpu.memory_space<vmem>>
          %dma_start3A_128 = tpu.memref_squeeze %dma_start3A_127 : memref<1x40xi32, #tpu.memory_space<vmem>> -> memref<40xi32, #tpu.memory_space<vmem>>
          %dma_start3A_129 = arith.constant 0 : i32
          %dma_start3A_130 = arith.constant 0 : i32
          %dma_start3A_131 = tpu.memref_slice %arg3[%dma_start3A_129, %dma_start3A_130] : memref<10000x128xf32, #tpu.memory_space<hbm>> -> memref<10000x128xf32, #tpu.memory_space<hbm>>
          tpu.enqueue_indirect_dma source(%dma_start3A_131 : memref<10000x128xf32, #tpu.memory_space<hbm>>) target(%arg11 : memref<40x128xf32, #tpu.memory_space<vmem>>) offsets(%dma_start3A_128 : memref<40xi32, #tpu.memory_space<vmem>>) semaphore(%arg14 : memref<!tpu.dma_semaphore, #tpu.memory_space<semaphore_mem>>)
        } else {
        }
        %scan3A_113 = arith.constant 0 : i32
        %scan3A_114 = arith.constant 40 : i32
        %scan3A_115 = arith.addi %scan3A_113, %scan3A_114 : i32
        %scan3A_116 = arith.constant 1 : i32
        scf.for %scan3A_118 = %scan3A_113 to %scan3A_115 step %scan3A_116  : i32 {
          %mul3A_119 = arith.constant 1 : i32
          %mul3A_120 = arith.muli %scan3A_118, %mul3A_119 : i32
          %add3A_121 = arith.constant 0 : i32
          %add3A_122 = arith.addi %add3A_121, %mul3A_120 : i32
          %get3A = arith.index_cast %add3A_122 : i32 to index
          %get3A_123 = arith.constant 0 : index
          %get3A_124 = tpu.vector_load %arg10[%get3A, %get3A_123] {strides = array<i32>} : memref<40x128xf32, #tpu.memory_space<vmem>>, vector<1x16xf32>,
          %get3A_125 = vector.shape_cast %get3A_124 : vector<1x16xf32> to vector<16xf32>
          %get3A_126 = arith.index_cast %add3A_122 : i32 to index
          %get3A_127 = arith.constant 0 : index
          %get3A_128 = tpu.vector_load %arg12[%get3A_126, %get3A_127] {strides = array<i32>} : memref<40x128xf32, #tpu.memory_space<vmem>>, vector<1x16xf32>,
          %get3A_129 = vector.shape_cast %get3A_128 : vector<1x16xf32> to vector<16xf32>
          %add3A_130 = arith.addf %get3A_125, %get3A_129 : vector<16xf32>
          %max3A = arith.constant 0.000000e+00 : f32
          %max3A_131 = vector.broadcast %max3A : f32 to vector<16xf32>
          %max3A_132 = arith.maximumf %add3A_130, %max3A_131 : vector<16xf32>
          %swap3A = arith.index_cast %add3A_122 : i32 to index
          %swap3A_133 = arith.constant 0 : index
          %swap3A_134 = tpu.vector_load %arg10[%swap3A, %swap3A_133] {strides = array<i32>} : memref<40x128xf32, #tpu.memory_space<vmem>>, vector<1x16xf32>,
          %swap3A_135 = vector.shape_cast %swap3A_134 : vector<1x16xf32> to vector<16xf32>
          %swap3A_136 = vector.shape_cast %max3A_132 : vector<16xf32> to vector<1x16xf32>
          tpu.vector_store %arg10[%swap3A, %swap3A_133], %swap3A_136 {strides = array<i32>} : memref<40x128xf32, #tpu.memory_space<vmem>>, vector<1x16xf32>,
          %get3A_137 = arith.index_cast %add3A_122 : i32 to index
          %get3A_138 = arith.constant 16 : index
          %get3A_139 = tpu.vector_load %arg10[%get3A_137, %get3A_138] {strides = array<i32>} : memref<40x128xf32, #tpu.memory_space<vmem>>, vector<1x16xf32>,
          %get3A_140 = vector.shape_cast %get3A_139 : vector<1x16xf32> to vector<16xf32>
          %get3A_141 = arith.index_cast %add3A_122 : i32 to index
          %get3A_142 = arith.constant 16 : index
          %get3A_143 = tpu.vector_load %arg12[%get3A_141, %get3A_142] {strides = array<i32>} : memref<40x128xf32, #tpu.memory_space<vmem>>, vector<1x16xf32>,
          %get3A_144 = vector.shape_cast %get3A_143 : vector<1x16xf32> to vector<16xf32>
          %add3A_145 = arith.addf %get3A_140, %get3A_144 : vector<16xf32>
          %max3A_146 = arith.constant 0.000000e+00 : f32
          %max3A_147 = vector.broadcast %max3A_146 : f32 to vector<16xf32>
          %max3A_148 = arith.maximumf %add3A_145, %max3A_147 : vector<16xf32>
          %swap3A_149 = arith.index_cast %add3A_122 : i32 to index
          %swap3A_150 = arith.constant 16 : index
          %swap3A_151 = tpu.vector_load %arg10[%swap3A_149, %swap3A_150] {strides = array<i32>} : memref<40x128xf32, #tpu.memory_space<vmem>>, vector<1x16xf32>,
          %swap3A_152 = vector.shape_cast %swap3A_151 : vector<1x16xf32> to vector<16xf32>
          %swap3A_153 = vector.shape_cast %max3A_148 : vector<16xf32> to vector<1x16xf32>
          tpu.vector_store %arg10[%swap3A_149, %swap3A_150], %swap3A_153 {strides = array<i32>} : memref<40x128xf32, #tpu.memory_space<vmem>>, vector<1x16xf32>,
          %get3A_154 = arith.index_cast %add3A_122 : i32 to index
          %get3A_155 = arith.constant 32 : index
          %get3A_156 = tpu.vector_load %arg10[%get3A_154, %get3A_155] {strides = array<i32>} : memref<40x128xf32, #tpu.memory_space<vmem>>, vector<1x16xf32>,
          %get3A_157 = vector.shape_cast %get3A_156 : vector<1x16xf32> to vector<16xf32>
          %get3A_158 = arith.index_cast %add3A_122 : i32 to index
          %get3A_159 = arith.constant 32 : index
          %get3A_160 = tpu.vector_load %arg12[%get3A_158, %get3A_159] {strides = array<i32>} : memref<40x128xf32, #tpu.memory_space<vmem>>, vector<1x16xf32>,
          %get3A_161 = vector.shape_cast %get3A_160 : vector<1x16xf32> to vector<16xf32>
          %add3A_162 = arith.addf %get3A_157, %get3A_161 : vector<16xf32>
          %max3A_163 = arith.constant 0.000000e+00 : f32
          %max3A_164 = vector.broadcast %max3A_163 : f32 to vector<16xf32>
          %max3A_165 = arith.maximumf %add3A_162, %max3A_164 : vector<16xf32>
          %swap3A_166 = arith.index_cast %add3A_122 : i32 to index
          %swap3A_167 = arith.constant 32 : index
          %swap3A_168 = tpu.vector_load %arg10[%swap3A_166, %swap3A_167] {strides = array<i32>} : memref<40x128xf32, #tpu.memory_space<vmem>>, vector<1x16xf32>,
          %swap3A_169 = vector.shape_cast %swap3A_168 : vector<1x16xf32> to vector<16xf32>
          %swap3A_170 = vector.shape_cast %max3A_165 : vector<16xf32> to vector<1x16xf32>
          tpu.vector_store %arg10[%swap3A_166, %swap3A_167], %swap3A_170 {strides = array<i32>} : memref<40x128xf32, #tpu.memory_space<vmem>>, vector<1x16xf32>,
          %get3A_171 = arith.index_cast %add3A_122 : i32 to index
          %get3A_172 = arith.constant 48 : index
          %get3A_173 = tpu.vector_load %arg10[%get3A_171, %get3A_172] {strides = array<i32>} : memref<40x128xf32, #tpu.memory_space<vmem>>, vector<1x16xf32>,
          %get3A_174 = vector.shape_cast %get3A_173 : vector<1x16xf32> to vector<16xf32>
          %get3A_175 = arith.index_cast %add3A_122 : i32 to index
          %get3A_176 = arith.constant 48 : index
          %get3A_177 = tpu.vector_load %arg12[%get3A_175, %get3A_176] {strides = array<i32>} : memref<40x128xf32, #tpu.memory_space<vmem>>, vector<1x16xf32>,
          %get3A_178 = vector.shape_cast %get3A_177 : vector<1x16xf32> to vector<16xf32>
          %add3A_179 = arith.addf %get3A_174, %get3A_178 : vector<16xf32>
          %max3A_180 = arith.constant 0.000000e+00 : f32
          %max3A_181 = vector.broadcast %max3A_180 : f32 to vector<16xf32>
          %max3A_182 = arith.maximumf %add3A_179, %max3A_181 : vector<16xf32>
          %swap3A_183 = arith.index_cast %add3A_122 : i32 to index
          %swap3A_184 = arith.constant 48 : index
          %swap3A_185 = tpu.vector_load %arg10[%swap3A_183, %swap3A_184] {strides = array<i32>} : memref<40x128xf32, #tpu.memory_space<vmem>>, vector<1x16xf32>,
          %swap3A_186 = vector.shape_cast %swap3A_185 : vector<1x16xf32> to vector<16xf32>
          %swap3A_187 = vector.shape_cast %max3A_182 : vector<16xf32> to vector<1x16xf32>
          tpu.vector_store %arg10[%swap3A_183, %swap3A_184], %swap3A_187 {strides = array<i32>} : memref<40x128xf32, #tpu.memory_space<vmem>>, vector<1x16xf32>,
          %get3A_188 = arith.index_cast %add3A_122 : i32 to index
          %get3A_189 = arith.constant 64 : index
          %get3A_190 = tpu.vector_load %arg10[%get3A_188, %get3A_189] {strides = array<i32>} : memref<40x128xf32, #tpu.memory_space<vmem>>, vector<1x16xf32>,
          %get3A_191 = vector.shape_cast %get3A_190 : vector<1x16xf32> to vector<16xf32>
          %get3A_192 = arith.index_cast %add3A_122 : i32 to index
          %get3A_193 = arith.constant 64 : index
          %get3A_194 = tpu.vector_load %arg12[%get3A_192, %get3A_193] {strides = array<i32>} : memref<40x128xf32, #tpu.memory_space<vmem>>, vector<1x16xf32>,
          %get3A_195 = vector.shape_cast %get3A_194 : vector<1x16xf32> to vector<16xf32>
          %add3A_196 = arith.addf %get3A_191, %get3A_195 : vector<16xf32>
          %max3A_197 = arith.constant 0.000000e+00 : f32
          %max3A_198 = vector.broadcast %max3A_197 : f32 to vector<16xf32>
          %max3A_199 = arith.maximumf %add3A_196, %max3A_198 : vector<16xf32>
          %swap3A_200 = arith.index_cast %add3A_122 : i32 to index
          %swap3A_201 = arith.constant 64 : index
          %swap3A_202 = tpu.vector_load %arg10[%swap3A_200, %swap3A_201] {strides = array<i32>} : memref<40x128xf32, #tpu.memory_space<vmem>>, vector<1x16xf32>,
          %swap3A_203 = vector.shape_cast %swap3A_202 : vector<1x16xf32> to vector<16xf32>
          %swap3A_204 = vector.shape_cast %max3A_199 : vector<16xf32> to vector<1x16xf32>
          tpu.vector_store %arg10[%swap3A_200, %swap3A_201], %swap3A_204 {strides = array<i32>} : memref<40x128xf32, #tpu.memory_space<vmem>>, vector<1x16xf32>,
          %get3A_205 = arith.index_cast %add3A_122 : i32 to index
          %get3A_206 = arith.constant 80 : index
          %get3A_207 = tpu.vector_load %arg10[%get3A_205, %get3A_206] {strides = array<i32>} : memref<40x128xf32, #tpu.memory_space<vmem>>, vector<1x16xf32>,
          %get3A_208 = vector.shape_cast %get3A_207 : vector<1x16xf32> to vector<16xf32>
          %get3A_209 = arith.index_cast %add3A_122 : i32 to index
          %get3A_210 = arith.constant 80 : index
          %get3A_211 = tpu.vector_load %arg12[%get3A_209, %get3A_210] {strides = array<i32>} : memref<40x128xf32, #tpu.memory_space<vmem>>, vector<1x16xf32>,
          %get3A_212 = vector.shape_cast %get3A_211 : vector<1x16xf32> to vector<16xf32>
          %add3A_213 = arith.addf %get3A_208, %get3A_212 : vector<16xf32>
          %max3A_214 = arith.constant 0.000000e+00 : f32
          %max3A_215 = vector.broadcast %max3A_214 : f32 to vector<16xf32>
          %max3A_216 = arith.maximumf %add3A_213, %max3A_215 : vector<16xf32>
          %swap3A_217 = arith.index_cast %add3A_122 : i32 to index
          %swap3A_218 = arith.constant 80 : index
          %swap3A_219 = tpu.vector_load %arg10[%swap3A_217, %swap3A_218] {strides = array<i32>} : memref<40x128xf32, #tpu.memory_space<vmem>>, vector<1x16xf32>,
          %swap3A_220 = vector.shape_cast %swap3A_219 : vector<1x16xf32> to vector<16xf32>
          %swap3A_221 = vector.shape_cast %max3A_216 : vector<16xf32> to vector<1x16xf32>
          tpu.vector_store %arg10[%swap3A_217, %swap3A_218], %swap3A_221 {strides = array<i32>} : memref<40x128xf32, #tpu.memory_space<vmem>>, vector<1x16xf32>,
          %get3A_222 = arith.index_cast %add3A_122 : i32 to index
          %get3A_223 = arith.constant 96 : index
          %get3A_224 = tpu.vector_load %arg10[%get3A_222, %get3A_223] {strides = array<i32>} : memref<40x128xf32, #tpu.memory_space<vmem>>, vector<1x16xf32>,
          %get3A_225 = vector.shape_cast %get3A_224 : vector<1x16xf32> to vector<16xf32>
          %get3A_226 = arith.index_cast %add3A_122 : i32 to index
          %get3A_227 = arith.constant 96 : index
          %get3A_228 = tpu.vector_load %arg12[%get3A_226, %get3A_227] {strides = array<i32>} : memref<40x128xf32, #tpu.memory_space<vmem>>, vector<1x16xf32>,
          %get3A_229 = vector.shape_cast %get3A_228 : vector<1x16xf32> to vector<16xf32>
          %add3A_230 = arith.addf %get3A_225, %get3A_229 : vector<16xf32>
          %max3A_231 = arith.constant 0.000000e+00 : f32
          %max3A_232 = vector.broadcast %max3A_231 : f32 to vector<16xf32>
          %max3A_233 = arith.maximumf %add3A_230, %max3A_232 : vector<16xf32>
          %swap3A_234 = arith.index_cast %add3A_122 : i32 to index
          %swap3A_235 = arith.constant 96 : index
          %swap3A_236 = tpu.vector_load %arg10[%swap3A_234, %swap3A_235] {strides = array<i32>} : memref<40x128xf32, #tpu.memory_space<vmem>>, vector<1x16xf32>,
          %swap3A_237 = vector.shape_cast %swap3A_236 : vector<1x16xf32> to vector<16xf32>
          %swap3A_238 = vector.shape_cast %max3A_233 : vector<16xf32> to vector<1x16xf32>
          tpu.vector_store %arg10[%swap3A_234, %swap3A_235], %swap3A_238 {strides = array<i32>} : memref<40x128xf32, #tpu.memory_space<vmem>>, vector<1x16xf32>,
          %get3A_239 = arith.index_cast %add3A_122 : i32 to index
          %get3A_240 = arith.constant 112 : index
          %get3A_241 = tpu.vector_load %arg10[%get3A_239, %get3A_240] {strides = array<i32>} : memref<40x128xf32, #tpu.memory_space<vmem>>, vector<1x16xf32>,
          %get3A_242 = vector.shape_cast %get3A_241 : vector<1x16xf32> to vector<16xf32>
          %get3A_243 = arith.index_cast %add3A_122 : i32 to index
          %get3A_244 = arith.constant 112 : index
          %get3A_245 = tpu.vector_load %arg12[%get3A_243, %get3A_244] {strides = array<i32>} : memref<40x128xf32, #tpu.memory_space<vmem>>, vector<1x16xf32>,
          %get3A_246 = vector.shape_cast %get3A_245 : vector<1x16xf32> to vector<16xf32>
          %add3A_247 = arith.addf %get3A_242, %get3A_246 : vector<16xf32>
          %max3A_248 = arith.constant 0.000000e+00 : f32
          %max3A_249 = vector.broadcast %max3A_248 : f32 to vector<16xf32>
          %max3A_250 = arith.maximumf %add3A_247, %max3A_249 : vector<16xf32>
          %swap3A_251 = arith.index_cast %add3A_122 : i32 to index
          %swap3A_252 = arith.constant 112 : index
          %swap3A_253 = tpu.vector_load %arg10[%swap3A_251, %swap3A_252] {strides = array<i32>} : memref<40x128xf32, #tpu.memory_space<vmem>>, vector<1x16xf32>,
          %swap3A_254 = vector.shape_cast %swap3A_253 : vector<1x16xf32> to vector<16xf32>
          %swap3A_255 = vector.shape_cast %max3A_250 : vector<16xf32> to vector<1x16xf32>
          tpu.vector_store %arg10[%swap3A_251, %swap3A_252], %swap3A_255 {strides = array<i32>} : memref<40x128xf32, #tpu.memory_space<vmem>>, vector<1x16xf32>,
        }
        %scan3A_117 = arith.constant 40 : i32
        "tpu.region"() ({
          %run_scoped3A = tpu.sem_alloc : memref<!tpu.dma_semaphore, #tpu.memory_space<semaphore_mem>>
          %dma_start3A_118 = arith.constant 0 : i32
          %dma_start3A_119 = tpu.memref_slice %arg8[%add3A_93, %dma_start3A_118] : memref<50x40xi32, #tpu.memory_space<vmem>> -> memref<1x40xi32, #tpu.memory_space<vmem>>
          %dma_start3A_120 = tpu.memref_squeeze %dma_start3A_119 : memref<1x40xi32, #tpu.memory_space<vmem>> -> memref<40xi32, #tpu.memory_space<vmem>>
          %dma_start3A_121 = arith.constant 0 : i32
          %dma_start3A_122 = arith.constant 0 : i32
          %dma_start3A_123 = tpu.memref_slice %arg13[%dma_start3A_121, %dma_start3A_122] : memref<10000x128xf32, #tpu.memory_space<vmem_shared>> -> memref<10000x128xf32, #tpu.memory_space<vmem_shared>>
          tpu.enqueue_indirect_dma source(%arg10 : memref<40x128xf32, #tpu.memory_space<vmem>>) target(%dma_start3A_123 : memref<10000x128xf32, #tpu.memory_space<vmem_shared>>) offsets(%dma_start3A_120 : memref<40xi32, #tpu.memory_space<vmem>>) semaphore(%run_scoped3A : memref<!tpu.dma_semaphore, #tpu.memory_space<semaphore_mem>>) {add = true}
          %dma_wait3A_124 = arith.constant 0 : i32
          %dma_wait3A_125 = tpu.memref_slice %arg8[%add3A_93, %dma_wait3A_124] : memref<50x40xi32, #tpu.memory_space<vmem>> -> memref<1x40xi32, #tpu.memory_space<vmem>>
          %dma_wait3A_126 = tpu.memref_squeeze %dma_wait3A_125 : memref<1x40xi32, #tpu.memory_space<vmem>> -> memref<40xi32, #tpu.memory_space<vmem>>
          %dma_wait3A_127 = arith.constant 0 : i32
          %dma_wait3A_128 = arith.constant 0 : i32
          %dma_wait3A_129 = tpu.memref_slice %arg13[%dma_wait3A_127, %dma_wait3A_128] : memref<10000x128xf32, #tpu.memory_space<vmem_shared>> -> memref<10000x128xf32, #tpu.memory_space<vmem_shared>>
          tpu.wait_indirect_dma semaphore(%run_scoped3A : memref<!tpu.dma_semaphore, #tpu.memory_space<semaphore_mem>>) src(%arg10 : memref<40x128xf32, #tpu.memory_space<vmem>>) dst(%dma_wait3A_129 : memref<10000x128xf32, #tpu.memory_space<vmem_shared>>)
          tpu.yield
        }) : () -> ()
      }
      %scan3A_66 = arith.constant 25 : i32
    }
    %scan3A_24 = arith.constant 5 : i32
    %barrier3A_25 = arith.constant 0 : index
    tpu.barrier barrier_id(%barrier3A_25)
    %sub3A_26 = arith.constant 250 : i32
    %sub3A_27 = arith.subi %sub3A_26, %arg1 : i32
    %sub3A_28 = arith.constant 16 : i32
    %sub3A_29 = arith.constant 1 : i32
    %sub3A_30 = arith.subi %sub3A_28, %sub3A_29 : i32
    %add3A_31 = arith.addi %sub3A_27, %sub3A_30 : i32
    %div3A_32 = arith.constant 16 : i32
    %div3A_33 = arith.divsi %add3A_31, %div3A_32 : i32
    %while3A_34 = arith.constant 16 : i32
    %while3A_35 = arith.constant 0 : i32
    %while3A_36 = arith.subi %div3A_33, %while3A_35 : i32
    %while3A_37 = arith.addi %while3A_35, %while3A_36 : i32
    %while3A_38 = arith.constant 1 : i32
    %while3A_39 = arith.divsi %while3A_36, %while3A_38 : i32
    %while3A_40 = arith.muli %while3A_39, %while3A_38 : i32
    %while3A_41 = arith.addi %while3A_35, %while3A_40 : i32
    %while3A_42 = arith.constant 1 : i32
    scf.for %while3A_44 = %while3A_35 to %while3A_41 step %while3A_42  : i32 {
      %mul3A_45 = arith.muli %while3A_44, %while3A_34 : i32
      %add3A_46 = arith.addi %arg1, %mul3A_45 : i32
      %mul3A_47 = arith.constant 40 : i32
      %mul3A_48 = arith.muli %add3A_46, %mul3A_47 : i32
      "tpu.region"() ({
        %run_scoped3A = tpu.sem_alloc : memref<!tpu.dma_semaphore, #tpu.memory_space<semaphore_mem>>
        %dma_start3A = arith.constant 0 : i32
        %dma_start3A_49 = arith.constant 0 : i32
        %dma_start3A_50 = tpu.memref_slice %arg6[%arg0, %dma_start3A, %dma_start3A_49] : memref<2x10000x128xf32, #tpu.memory_space<hbm>> -> memref<1x10000x128xf32, #tpu.memory_space<hbm>>
        %dma_start3A_51 = tpu.memref_squeeze %dma_start3A_50 : memref<1x10000x128xf32, #tpu.memory_space<hbm>> -> memref<10000x128xf32, #tpu.memory_space<hbm>>
        %dma_start3A_52 = arith.constant 0 : i32
        %dma_start3A_53 = tpu.memref_slice %dma_start3A_51[%mul3A_48, %dma_start3A_52] : memref<10000x128xf32, #tpu.memory_space<hbm>> -> memref<40x128xf32, #tpu.memory_space<hbm>>
        %dma_start3A_54 = arith.constant 0 : i32
        %dma_start3A_55 = tpu.memref_slice %arg13[%mul3A_48, %dma_start3A_54] : memref<10000x128xf32, #tpu.memory_space<vmem_shared>> -> memref<40x128xf32, #tpu.memory_space<vmem_shared>>
        tpu.enqueue_dma source(%dma_start3A_55 : memref<40x128xf32, #tpu.memory_space<vmem_shared>>) target(%dma_start3A_53 : memref<40x128xf32, #tpu.memory_space<hbm>>) target_semaphore(%run_scoped3A : memref<!tpu.dma_semaphore, #tpu.memory_space<semaphore_mem>>)
        %dma_wait3A = arith.constant 0 : i32
        %dma_wait3A_56 = arith.constant 0 : i32
        %dma_wait3A_57 = tpu.memref_slice %arg6[%arg0, %dma_wait3A, %dma_wait3A_56] : memref<2x10000x128xf32, #tpu.memory_space<hbm>> -> memref<1x10000x128xf32, #tpu.memory_space<hbm>>
        %dma_wait3A_58 = tpu.memref_squeeze %dma_wait3A_57 : memref<1x10000x128xf32, #tpu.memory_space<hbm>> -> memref<10000x128xf32, #tpu.memory_space<hbm>>
        %dma_wait3A_59 = arith.constant 0 : i32
        %dma_wait3A_60 = tpu.memref_slice %dma_wait3A_58[%mul3A_48, %dma_wait3A_59] : memref<10000x128xf32, #tpu.memory_space<hbm>> -> memref<40x128xf32, #tpu.memory_space<hbm>>
        %dma_wait3A_61 = arith.constant 0 : i32
        %dma_wait3A_62 = tpu.memref_slice %arg13[%mul3A_48, %dma_wait3A_61] : memref<10000x128xf32, #tpu.memory_space<vmem_shared>> -> memref<40x128xf32, #tpu.memory_space<vmem_shared>>
        tpu.wait_dma2 semaphore(%run_scoped3A : memref<!tpu.dma_semaphore, #tpu.memory_space<semaphore_mem>>) src(%dma_wait3A_62 : memref<40x128xf32, #tpu.memory_space<vmem_shared>>) dst(%dma_wait3A_60 : memref<40x128xf32, #tpu.memory_space<hbm>>)
        tpu.yield
      }) : () -> ()
    }
    %while3A_43 = arith.constant 1 : i32
    scf.for %while3A_44 = %while3A_41 to %while3A_37 step %while3A_43  : i32 {
      %mul3A_45 = arith.muli %while3A_44, %while3A_34 : i32
      %add3A_46 = arith.addi %arg1, %mul3A_45 : i32
      %mul3A_47 = arith.constant 40 : i32
      %mul3A_48 = arith.muli %add3A_46, %mul3A_47 : i32
      "tpu.region"() ({
        %run_scoped3A = tpu.sem_alloc : memref<!tpu.dma_semaphore, #tpu.memory_space<semaphore_mem>>
        %dma_start3A = arith.constant 0 : i32
        %dma_start3A_49 = arith.constant 0 : i32
        %dma_start3A_50 = tpu.memref_slice %arg6[%arg0, %dma_start3A, %dma_start3A_49] : memref<2x10000x128xf32, #tpu.memory_space<hbm>> -> memref<1x10000x128xf32, #tpu.memory_space<hbm>>
        %dma_start3A_51 = tpu.memref_squeeze %dma_start3A_50 : memref<1x10000x128xf32, #tpu.memory_space<hbm>> -> memref<10000x128xf32, #tpu.memory_space<hbm>>
        %dma_start3A_52 = arith.constant 0 : i32
        %dma_start3A_53 = tpu.memref_slice %dma_start3A_51[%mul3A_48, %dma_start3A_52] : memref<10000x128xf32, #tpu.memory_space<hbm>> -> memref<40x128xf32, #tpu.memory_space<hbm>>
        %dma_start3A_54 = arith.constant 0 : i32
        %dma_start3A_55 = tpu.memref_slice %arg13[%mul3A_48, %dma_start3A_54] : memref<10000x128xf32, #tpu.memory_space<vmem_shared>> -> memref<40x128xf32, #tpu.memory_space<vmem_shared>>
        tpu.enqueue_dma source(%dma_start3A_55 : memref<40x128xf32, #tpu.memory_space<vmem_shared>>) target(%dma_start3A_53 : memref<40x128xf32, #tpu.memory_space<hbm>>) target_semaphore(%run_scoped3A : memref<!tpu.dma_semaphore, #tpu.memory_space<semaphore_mem>>)
        %dma_wait3A = arith.constant 0 : i32
        %dma_wait3A_56 = arith.constant 0 : i32
        %dma_wait3A_57 = tpu.memref_slice %arg6[%arg0, %dma_wait3A, %dma_wait3A_56] : memref<2x10000x128xf32, #tpu.memory_space<hbm>> -> memref<1x10000x128xf32, #tpu.memory_space<hbm>>
        %dma_wait3A_58 = tpu.memref_squeeze %dma_wait3A_57 : memref<1x10000x128xf32, #tpu.memory_space<hbm>> -> memref<10000x128xf32, #tpu.memory_space<hbm>>
        %dma_wait3A_59 = arith.constant 0 : i32
        %dma_wait3A_60 = tpu.memref_slice %dma_wait3A_58[%mul3A_48, %dma_wait3A_59] : memref<10000x128xf32, #tpu.memory_space<hbm>> -> memref<40x128xf32, #tpu.memory_space<hbm>>
        %dma_wait3A_61 = arith.constant 0 : i32
        %dma_wait3A_62 = tpu.memref_slice %arg13[%mul3A_48, %dma_wait3A_61] : memref<10000x128xf32, #tpu.memory_space<vmem_shared>> -> memref<40x128xf32, #tpu.memory_space<vmem_shared>>
        tpu.wait_dma2 semaphore(%run_scoped3A : memref<!tpu.dma_semaphore, #tpu.memory_space<semaphore_mem>>) src(%dma_wait3A_62 : memref<40x128xf32, #tpu.memory_space<vmem_shared>>) dst(%dma_wait3A_60 : memref<40x128xf32, #tpu.memory_space<hbm>>)
        tpu.yield
      }) : () -> ()
    }
    return
  }
}

module attributes {stable_mosaic.version = 14 : i64} {
  func.func @_pre_body(%arg0: i32, %arg1: memref<2000x128xf32, #tpu.memory_space<vmem>>, %arg2: memref<256x128xf32, #tpu.memory_space<vmem>>, %arg3: memref<2000x128xf32, #tpu.memory_space<vmem>>, %arg4: memref<2000x128xf32, #tpu.memory_space<vmem>>) attributes {dimension_semantics = [#tpu.dimension_semantics<arbitrary>], iteration_bounds = array<i64: 5>, scalar_prefetch = 0 : i64, scratch_operands = 0 : i64, tpu.core_type = #tpu.core_type<tc>, window_params = [{transform_indices = @transform_0, window_bounds = array<i64: 2000, 128>}, {pipeline_mode = #tpu.pipeline_mode<synchronous>, transform_indices = @transform_1, window_bounds = array<i64: 256, 128>}, {transform_indices = @transform_2, window_bounds = array<i64: 2000, 128>}, {transform_indices = @transform_3, window_bounds = array<i64: 2000, 128>}]} {
    %get3A = arith.constant 0 : index
    %get3A_0 = arith.constant 0 : index
    %get3A_1 = vector.load %arg1[%get3A, %get3A_0] : memref<2000x128xf32, #tpu.memory_space<vmem>>, vector<2000x128xf32>
    %get3A_2 = arith.constant 0 : index
    %get3A_3 = arith.constant 0 : index
    %get3A_4 = vector.load %arg2[%get3A_2, %get3A_3] : memref<256x128xf32, #tpu.memory_space<vmem>>, vector<256x128xf32>
    %slice3A = vector.extract_strided_slice %get3A_4 {offsets = [0, 0], sizes = [128, 128], strides = [1, 1]} : vector<256x128xf32> to vector<128x128xf32>
    %dot_general3A = arith.constant dense<0.000000e+00> : vector<2000x128xf32>
    %dot_general3A_5 = tpu.matmul %get3A_1, %slice3A, %dot_general3A {dimension_numbers = #tpu.dot_dimension_numbers<[1], [0], [0], [1], [0, 0, 1, 1], [], []>, transpose_lhs_hint = false} : vector<2000x128xf32>, vector<128x128xf32>, vector<2000x128xf32> -> vector<2000x128xf32>
    %swap3A = arith.constant 0 : index
    %swap3A_6 = arith.constant 0 : index
    %swap3A_7 = vector.load %arg3[%swap3A, %swap3A_6] : memref<2000x128xf32, #tpu.memory_space<vmem>>, vector<2000x128xf32>
    tpu.vector_store %arg3[%swap3A, %swap3A_6], %dot_general3A_5 {strides = array<i32>} : memref<2000x128xf32, #tpu.memory_space<vmem>>, vector<2000x128xf32>,
    %slice3A_8 = vector.extract_strided_slice %get3A_4 {offsets = [128, 0], sizes = [128, 128], strides = [1, 1]} : vector<256x128xf32> to vector<128x128xf32>
    %dot_general3A_9 = arith.constant dense<0.000000e+00> : vector<2000x128xf32>
    %dot_general3A_10 = tpu.matmul %get3A_1, %slice3A_8, %dot_general3A_9 {dimension_numbers = #tpu.dot_dimension_numbers<[1], [0], [0], [1], [0, 0, 1, 1], [], []>, transpose_lhs_hint = false} : vector<2000x128xf32>, vector<128x128xf32>, vector<2000x128xf32> -> vector<2000x128xf32>
    %swap3A_11 = arith.constant 0 : index
    %swap3A_12 = arith.constant 0 : index
    %swap3A_13 = vector.load %arg4[%swap3A_11, %swap3A_12] : memref<2000x128xf32, #tpu.memory_space<vmem>>, vector<2000x128xf32>
    tpu.vector_store %arg4[%swap3A_11, %swap3A_12], %dot_general3A_10 {strides = array<i32>} : memref<2000x128xf32, #tpu.memory_space<vmem>>, vector<2000x128xf32>,
    return
  }
  func.func @transform_0(%arg0: i32) -> (i32, i32) {
    %c0_i32 = arith.constant 0 : i32
    %c0_i32_0 = arith.constant 0 : i32
    return %arg0, %c0_i32 : i32, i32
  }
  func.func @transform_1(%arg0: i32) -> (i32, i32) {
    %c0_i32 = arith.constant 0 : i32
    %c0_i32_0 = arith.constant 0 : i32
    %c0_i32_1 = arith.constant 0 : i32
    return %c0_i32, %c0_i32_0 : i32, i32
  }
  func.func @transform_2(%arg0: i32) -> (i32, i32) {
    %c0_i32 = arith.constant 0 : i32
    %c0_i32_0 = arith.constant 0 : i32
    return %arg0, %c0_i32 : i32, i32
  }
  func.func @transform_3(%arg0: i32) -> (i32, i32) {
    %c0_i32 = arith.constant 0 : i32
    %c0_i32_0 = arith.constant 0 : i32
    return %arg0, %c0_i32 : i32, i32
  }
}

module attributes {stable_mosaic.version = 14 : i64} {
  func.func @_post_body(%arg0: i32, %arg1: memref<2000x128xf32, #tpu.memory_space<vmem>>, %arg2: memref<2000x128xf32, #tpu.memory_space<vmem>>, %arg3: memref<128x128xf32, #tpu.memory_space<vmem>>, %arg4: memref<2000x128xf32, #tpu.memory_space<vmem>>) attributes {dimension_semantics = [#tpu.dimension_semantics<arbitrary>], iteration_bounds = array<i64: 5>, scalar_prefetch = 0 : i64, scratch_operands = 0 : i64, tpu.core_type = #tpu.core_type<tc>, window_params = [{transform_indices = @transform_0, window_bounds = array<i64: 2000, 128>}, {transform_indices = @transform_1, window_bounds = array<i64: 2000, 128>}, {pipeline_mode = #tpu.pipeline_mode<synchronous>, transform_indices = @transform_2, window_bounds = array<i64: 128, 128>}, {transform_indices = @transform_3, window_bounds = array<i64: 2000, 128>}]} {
    %get3A = arith.constant 0 : index
    %get3A_0 = arith.constant 0 : index
    %get3A_1 = vector.load %arg1[%get3A, %get3A_0] : memref<2000x128xf32, #tpu.memory_space<vmem>>, vector<2000x128xf32>
    %get3A_2 = arith.constant 0 : index
    %get3A_3 = arith.constant 0 : index
    %get3A_4 = vector.load %arg2[%get3A_2, %get3A_3] : memref<2000x128xf32, #tpu.memory_space<vmem>>, vector<2000x128xf32>
    %add3A = arith.addf %get3A_1, %get3A_4 : vector<2000x128xf32>
    %get3A_5 = arith.constant 0 : index
    %get3A_6 = arith.constant 0 : index
    %get3A_7 = vector.load %arg3[%get3A_5, %get3A_6] : memref<128x128xf32, #tpu.memory_space<vmem>>, vector<128x128xf32>
    %dot_general3A = arith.constant dense<0.000000e+00> : vector<2000x128xf32>
    %dot_general3A_8 = tpu.matmul %add3A, %get3A_7, %dot_general3A {dimension_numbers = #tpu.dot_dimension_numbers<[1], [0], [0], [1], [0, 0, 1, 1], [], []>, transpose_lhs_hint = false} : vector<2000x128xf32>, vector<128x128xf32>, vector<2000x128xf32> -> vector<2000x128xf32>
    %swap3A = arith.constant 0 : index
    %swap3A_9 = arith.constant 0 : index
    %swap3A_10 = vector.load %arg4[%swap3A, %swap3A_9] : memref<2000x128xf32, #tpu.memory_space<vmem>>, vector<2000x128xf32>
    tpu.vector_store %arg4[%swap3A, %swap3A_9], %dot_general3A_8 {strides = array<i32>} : memref<2000x128xf32, #tpu.memory_space<vmem>>, vector<2000x128xf32>,
    return
  }
  func.func @transform_0(%arg0: i32) -> (i32, i32) {
    %c0_i32 = arith.constant 0 : i32
    %c0_i32_0 = arith.constant 0 : i32
    return %arg0, %c0_i32 : i32, i32
  }
  func.func @transform_1(%arg0: i32) -> (i32, i32) {
    %c0_i32 = arith.constant 0 : i32
    %c0_i32_0 = arith.constant 0 : i32
    return %arg0, %c0_i32 : i32, i32
  }
  func.func @transform_2(%arg0: i32) -> (i32, i32) {
    %c0_i32 = arith.constant 0 : i32
    %c0_i32_0 = arith.constant 0 : i32
    %c0_i32_1 = arith.constant 0 : i32
    return %c0_i32, %c0_i32_0 : i32, i32
  }
  func.func @transform_3(%arg0: i32) -> (i32, i32) {
    %c0_i32 = arith.constant 0 : i32
    %c0_i32_0 = arith.constant 0 : i32
    return %arg0, %c0_i32 : i32, i32
  }
}

</mosaic_0001>

<sc_bundles>
// kernel: kernel.5.cloned.1.call-start
scs
__scs_entry_jumppad:
0x0: {  	(pc) =	sbr.rel $0x88, $3  }
0x1: {  	(tag) =	ssettag $0x0;
	lr =	simm.s32 $0x1  }
0x2: {  	[smem:$0x3F9D] =	sst lr;
	_ =	strace $0xD0000000  }
0x3: {  	_ = 	snop  }
0x4: {  	_ = 	snop  }
0x5: {  	_ = 	snop  }
0x6: {  	_ = 	snop  }
0x7: {  	_ = 	snop  }
__scs_overlays_trampoline_lowered:
0x8: {  	[smem:$0x3FAC] =	sst s0  }
0x9: {  	[smem:$0x3FAD] =	sst s1  }
0xa: {  	[smem:$0x3FAE] =	sst s2  }
0xb: {  	[smem:$0x3FAF] =	sst s3  }
0xc: {  	[smem:$0x3FB0] =	sst s4  }
0xd: {  	[smem:$0x3FB1] =	sst s5  }
0xe: {  	[smem:$0x3FB2] =	sst s6  }
0xf: {  	[smem:$0x3FB3] =	sst s7  }
0x10: {  	[smem:$0x3FB4] =	sst s8  }
0x11: {  	[smem:$0x3FB5] =	sst s9;
	s0 =	simm.s32 @!p0 $0x0  }
0x12: {  	s1 =	sld [smem:$0x3F9B];
	s0 =	simm.s32 @p0 $0x1  }
0x13: {  	[smem:$0x3FB6] =	sst s0;
	s0 =	simm.s32 @!p1 $0x0  }
0x14: {  	s2 =	sld [smem:$0x3F9A];
	s0 =	simm.s32 @p1 $0x1  }
0x15: {  	[smem:$0x3FB7] =	sst s0;
	s0 =	simm.s32 @!p2 $0x0  }
0x16: {  	s3 =	sld [smem:$0x3FDB];
	s0 =	simm.s32 @p2 $0x1  }
0x17: {  	s4 =	simm.s32 $0x1BF5;
	[smem:$0x3FB9] =	sst s0  }
0x18: {  	s0 =	sld [smem:$0x3F9C];
	_ =	swait.ge [sflag:s4], $0x0  }
0x19: {  	s7 =	sld [smem:$0x3F9D]  }
0x1a: {  	s8 =	sadd.s32 $0xFFFFE003, lr  }
0x1b: {  	s9 =	sadd.s32 $0xFFFFFEF7, lr;
	s5 =	simm.s32 $0xFFFFFFFF;
	p2 =	slt.u32 s8, $0xFFFFF086  }
0x1c: {  	p1 =	slt.u32 s9, $0xF7A;
	s5 =	simm.s32 @!p2 $0x0  }
0x1d: {  	s5 =	simm.s32 @p1 $0x1;
	p0 =	seq.s32 s7, s2  }
0x1e: {  	s7 =	smul.u32 @!p0 $0xF7A, s2;
	p2 =	seq.s32 @!p0 s5, $0x0  }
0x1f: {  	s9 =	smul.u32 $0xF7A, s1;
	s8 =	simm.s32 @!p0 $0x1BF5;
	p2 =	por !p2, p0  }
0x20: {  	[sflag:s8] =	ssyncset.s32 @!p0 $0xFFFFF086;
	s6 =	sadd.s32 @!p0 s3, s7;
	s7 =	simm.s32 @!p0 $0x108  }
0x21: {  	s3 =	sadd.s32 s3, s9;
	s6 =	sadd.s32 @!p0 $0x88, s6;
	s7 =	simm.s32 @p2 $0x1082  }
0x22: {  	[simem:s7], [sflag:s8] =	dma.local @!p0 [hbm:s6], $0xF7A  }
0x23: {  	s9 =	sor.u32 $0xD0000000, s2;
	s6 =	simm.s32 $0x108;
	_ =	swait.ge @!p0 [sflag:s8], $0x0  }
0x24: {  	s3 =	sadd.s32 $0x88, s3;
	s6 =	simm.s32 @!p1 $0x1082;
	[sflag:s4] =	ssyncset.s32 $0xFFFFF086  }
0x25: {  	[simem:s6], [sflag:s4] =	dma.local [hbm:s3], $0xF7A  }
0x26: {  	[smem:$0x3F9D] =	sst s1;
	(tag) =	ssettag s2;
	_ =	strace s9  }
0x27: {  	s1 =	sld [smem:$0x3FAD]  }
0x28: {  	s2 =	sld [smem:$0x3FAE]  }
0x29: {  	s4 =	sld [smem:$0x3FB0]  }
0x2a: {  	p0 =	seq.s32 s5, $0x0;
	s5 =	sld [smem:$0x3FB1]  }
0x2b: {  	s6 =	sld [smem:$0x3FB2]  }
0x2c: {  	s7 =	sld [smem:$0x3FB3]  }
0x2d: {  	s3 =	simm.s32 $0x108;
	s8 =	sld [smem:$0x3FB4]  }
0x2e: {  	s3 =	simm.s32 @!p0 $0x1082;
	s9 =	sld [smem:$0x3FB5]  }
0x2f: {  	lr =	sadd.s32 s0, s3;
	s0 =	sld [smem:$0x3FAC]  }
0x30: {  	s3 =	sld [smem:$0x3FAF]  }
0x31: {  	[smem:$0x3FB8] =	sst s10  }
0x32: {  	s10 =	sld [smem:$0x3FB6];
	_ =	sdelay $0x3  }
0x33: {  	p0 =	seq.s32 s10, $0x1;
	s10 =	sld [smem:$0x3FB8];
	_ =	sdelay $0x3  }
0x34: {  	[smem:$0x3FB8] =	sst s10  }
0x35: {  	s10 =	sld [smem:$0x3FB7];
	_ =	sdelay $0x3  }
0x36: {  	p1 =	seq.s32 s10, $0x1;
	s10 =	sld [smem:$0x3FB8];
	_ =	sdelay $0x3  }
0x37: {  	[smem:$0x3FB8] =	sst s10  }
0x38: {  	s10 =	sld [smem:$0x3FB9]  }
0x39: {  	_ = 	snop;
	(pc) =	sbr.ind lr, $3  }
0x3a: {  	_ = 	snop  }
0x3b: {  	_ = 	snop  }
0x3c: {  	p2 =	seq.s32 s10, $0x1;
	s10 =	sld [smem:$0x3FB8]  }
0x3d: {  	_ =	shalt  }
0x3e: {  	_ =	shalt  }
0x3f: {  	_ =	shalt  }
0x40: {  	_ =	shalt  }
0x41: {  	_ =	shalt  }
0x42: {  	_ =	shalt  }
0x43: {  	_ =	shalt  }
0x44: {  	_ =	shalt  }
0x45: {  	_ =	shalt  }
0x46: {  	_ =	shalt  }
0x47: {  	_ =	shalt  }
0x48: {  	_ =	shalt  }
0x49: {  	_ =	shalt  }
0x4a: {  	_ =	shalt  }
0x4b: {  	_ =	shalt  }
0x4c: {  	_ =	shalt  }
0x4d: {  	_ =	shalt  }
0x4e: {  	_ =	shalt  }
0x4f: {  	_ =	shalt  }
0x50: {  	_ =	shalt  }
0x51: {  	_ =	shalt  }
0x52: {  	_ =	shalt  }
0x53: {  	_ =	shalt  }
0x54: {  	_ =	shalt  }
0x55: {  	_ =	shalt  }
0x56: {  	_ =	shalt  }
0x57: {  	_ =	shalt  }
0x58: {  	_ =	shalt  }
0x59: {  	_ =	shalt  }
0x5a: {  	_ =	shalt  }
0x5b: {  	_ =	shalt  }
0x5c: {  	_ =	shalt  }
0x5d: {  	_ =	shalt  }
0x5e: {  	_ =	shalt  }
0x5f: {  	_ =	shalt  }
0x60: {  	_ =	shalt  }
0x61: {  	_ =	shalt  }
0x62: {  	_ =	shalt  }
0x63: {  	_ =	shalt  }
0x64: {  	_ =	shalt  }
0x65: {  	_ =	shalt  }
0x66: {  	_ =	shalt  }
0x67: {  	_ =	shalt  }
0x68: {  	_ =	shalt  }
0x69: {  	_ =	shalt  }
0x6a: {  	_ =	shalt  }
0x6b: {  	_ =	shalt  }
0x6c: {  	_ =	shalt  }
0x6d: {  	_ =	shalt  }
0x6e: {  	_ =	shalt  }
0x6f: {  	_ =	shalt  }
0x70: {  	_ =	shalt  }
0x71: {  	_ =	shalt  }
0x72: {  	_ =	shalt  }
0x73: {  	_ =	shalt  }
0x74: {  	_ =	shalt  }
0x75: {  	_ =	shalt  }
0x76: {  	_ =	shalt  }
0x77: {  	_ =	shalt  }
0x78: {  	_ =	shalt  }
0x79: {  	_ =	shalt  }
0x7a: {  	_ =	shalt  }
0x7b: {  	_ =	shalt  }
0x7c: {  	_ =	shalt  }
0x7d: {  	_ =	shalt  }
0x7e: {  	_ =	shalt  }
0x7f: {  	_ =	shalt  }
0x80: {  	_ =	shalt  }
0x81: {  	_ =	shalt  }
0x82: {  	_ =	shalt  }
0x83: {  	_ =	shalt  }
0x84: {  	_ =	shalt  }
0x85: {  	_ =	shalt  }
0x86: {  	_ =	shalt  }
0x87: {  	_ =	shalt  }
.Lfunc_end0:
.L_simem_size_0:
called_computation_lowered:
.L_overlay_start_0:
0x88: {  	s2 =	sld [smem:$0x3FD9]  }
0x89: {  	s3 =	sld [smem:$0x3FFE];
	_ =	sdelay $0x1  }
0x8a: {  	s1 =	srdreg.scid  }
0x8b: {  	s0 =	sand.u32 $0x1, s1  }
0x8c: {  	s17 =	sshll.u32 s0, $0xA;
	s2 =	sadd.s32 s3, s2  }
0x8d: {  	s2 =	sadd.s32 s2, s17  }
0x8e: {  	[smem:$0x3FC4] =	sst s2  }
0x8f: {  	_ = 	snop  }
0x90: {  	s2 =	sld [smem:$0x3FD0];
	(tm) =	ssettm $0x1  }
0x91: {  	s18 =	sld [smem:$0x3FFB];
	_ =	sdelay $0x3  }
0x92: {  	_ =	strace s18  }
0x93: {  	s3 =	sld [smem:$0x3FFC];
	_ =	sdelay $0x3  }
0x94: {  	_ =	strace s3  }
0x95: {  	s3 =	sld [smem:$0x3FFD];
	_ =	sdelay $0x3  }
0x96: {  	_ =	strace s3  }
0x97: {  	_ =	strace $0x8FFFFFFF  }
0x98: {  	s19 =	sld [smem:$0x3FDB];
	_ =	sdelay $0x1  }
0x99: {  	s4 =	simm.s32 $_scs_section_size  }
0x9a: {  	s5 =	simm.s32 $_size__tile_overlayer_lowered;
	s6 =	simm.s32 $_tile_overlayer_lowered  }
0x9b: {  	s22 =	simm.s32 $0x1BFF;
	s21 =	sshll.u32 s6, $0x1;
	s3 =	sadd.s32 s4, s19  }
0x9c: {  	s7 =	simm.s32 $0x0;
	s20 =	sshll.u32 s5, $0x1;
	s5 =	sadd.s32 s21, s3  }
0x9d: {  	[timem:s7], [sflag:s22] =	dma.local [hbm:s5], s20  }
0x9e: {  	_ =	swait.ge [sflag:s22], s20  }
0x9f: {  	s4 =	ssub.s32 $0x0, s20;
	[sflag:s22] =	ssyncset.done $0x0  }
0xa0: {  	[sflag:s22] =	ssyncadd.s32 s4;
	_ =	sdelay $0x1  }
0xa1: {  	s23 =	simm.s32 $0x1B8B  }
0xa2: {  	_ =	swait.ge [sflag:s23], $0x1  }
0xa3: {  	[sflag:s23] =	ssyncset.done $0x0  }
0xa4: {  	s25 =	simm.s32 $0x1B8E;
	s24 =	sld [smem:$0x3FFE];
	[sflag:s23] =	ssyncadd.s32 $0xFFFFFFFF  }
0xa5: {  	s26 =	simm.s32 $execute0_lowered;
	[smem:$0x3FD2] =	sst s25  }
0xa6: {  	s5 =	sshll.u32 s26, $0x1;
	_ =	strace $0x80000046;
	[dreg:$0x1] =	wrdreg $0xFFFFFFFF  }
0xa7: {  	s28 =	simm.s32 $_size_execute0_lowered;
	s3 =	sadd.s32 s3, s5;
	[dreg:$0x0] =	wrdreg $0x0  }
0xa8: {  	s5 =	sshll.u32 s28, $0x1;
	[dreg:$0x2] =	wrdreg s3  }
0xa9: {  	[dreg:$0x3] =	wrdreg s5  }
0xaa: {  	[dreg:$0x4] =	wrdreg $0xC0  }
0xab: {  	_ =	task [dreg:s7], $0x5FFFF  }
0xac: {  	[dreg:$0x1] =	wrdreg $0xFFFFFFFF  }
0xad: {  	[dreg:$0x0] =	wrdreg $0x60  }
0xae: {  	[dreg:$0x2] =	wrdreg s2  }
0xaf: {  	[dreg:$0x3] =	wrdreg s24  }
0xb0: {  	[dreg:$0x4] =	wrdreg $0x88000  }
0xb1: {  	[dreg:$0x5] =	wrdreg $0x9  }
0xb2: {  	_ =	task.clear_ibuf [dreg:s7], $0x6FFFF;
	_ =	strace $0x90000046  }
0xb3: {  	s29 =	simm.s32 $0x9;
	_ =	strace $0x80000048  }
0xb4: {  	_ =	swait.ge [sflag:s29], $0x1  }
0xb5: {  	[sflag:s29] =	ssyncadd.s32 $0xFFFFFFFF  }
0xb6: {  	_ =	strace $0x90000048  }
0xb7: {  	_ =	sfence  }
0xb8: {  	s30 =	sld [smem:$0x0];
	_ =	sdelay $0x2  }
0xb9: {  	s31 =	sshll.u32 s1, $0xD;
	s1 =	sshrl.u32 s1, $0x2  }
0xba: {  	s3 =	sand.u32 $0x4000, s31;
	s1 =	sadd.s32 s1, s30  }
0xbb: {  	s0 =	sor.u32 s3, s0;
	s1 =	sshll.u32 s1, $0x11  }
0xbc: {  	s0 =	sor.u32 s1, s0  }
0xbd: {  	s0 =	sadd.s32 $0x8F2B, s0  }
0xbe: {  	[sflag:s0] =	ssyncadd.remote.s32 $0x1  }
0xbf: {  	_ =	sfence.sel $0xFFFF  }
0xc0: {  	[dreg:$0x0] =	wrdreg $0xFFFFFFFF;
	(pc) =	sbr.abs _section_cstart, $3  }
0xc1: {  	[dreg:$0x1] =	wrdreg $0xFFFFFFFF  }
0xc2: {  	_ =	task.clear_ibuf [dreg:s7], $0x2FFFF;
	_ =	strace $0x9FFFFFFF  }
0xc3: {  	(tm) =	ssettm $0x7FFFFFFF  }
tec
execute0_lowered:
.L_overlay_start_1:
0x0: {  	(tag) =	ssettag $0x1  }
0x1: {  	s1 =	rddreg [dreg:$0x0];
	s2 =	srdreg.scid  }
0x2: {  	s0 =	stileid.u32;
	s6 =	rddreg [dreg:$0x1]  }
0x3: {  	s3 =	rddreg [dreg:$0x2];
	s4 =	simm.s32 $0x0;
	s12 =	simm.s32 $0x3  }
0x4: {  	s13 =	simm.s32 $0x1C00;
	s14 =	simm.s32 $0x28;
	s15 =	simm.s32 $0x6000  }
0x5: {  	s16 =	simm.s32 $0x1;
	s17 =	simm.s32 $0x4C00;
	s18 =	simm.s32 $0x7400  }
0x6: {  	s19 =	simm.s32 $0x2;
	s7 =	sand.u32 $0x1, s2;
	s2 =	rddreg [dreg:$0x3]  }
0x7: {  	s28 =	sshll.u32 s0, $0x1;
	[smem:$0x7FF] =	sst s4;
	s11 =	smul.u32 $0x5000, s0  }
0x8: {  	s30 =	ssub.s32 $0x109, s0;
	s21 =	smul.u32 $0x280, s0;
	s5 =	sor.u32 s7, s28  }
0x9: {  	s9 =	smul.u32 $0x27100, s7;
	_ =	strace $0x80000047;
	s7 =	ssub.s32 $0x2, s7  }
0xa: {  	s8 =	smul.u32 $0x1180, s5;
	s5 =	sadd.s32 $0x47000, s6;
	s29 =	sshrl.u32 s7, $0x1  }
0xb: {  	s31 =	sshrl.u32 s11, $0x2;
	s11 =	simm.s32 $0x3800;
	s9 =	sadd.s32 s9, s6  }
0xc: {  	s10 =	ssub.s32 s7, s29;
	s8 =	sadd.s32 s8, s6;
	s6 =	sshrl.u32 s30, $0x4  }
0xd: {  	s20 =	sadd.s32 $0x6E200, s9;
	s9 =	smax.u32 s10, $0x1;
	s10 =	sadd.s32 s31, s3  }
0xe: {  	v0 =	vimm.f32 $0.0e+00;
	s7 =	sadd.s32 $0x24000, s8;
	s8 =	sadd.s32 $0x1000, s8;
	s20 =	sadd.s32 s20, s21  }
.LBB2_1:
0xf: {  	s21 =	simm.s32 $0x0;
	s22 =	simm.s32 $0x200  }
.LBB2_2:
0x10: {  	p0 =	sne.s32 s22, $0x4E00;
	[tilespmem:s21+$0x3870] =	vst v0  }
0x11: {  	[tilespmem:s21+$0x3800] =	vst v0  }
0x12: {  	[tilespmem:s21+$0x3810] =	vst v0  }
.Ltmp0:
0x13: {  	[tilespmem:s21+$0x3820] =	vst v0;
	(pc) =	sbr.rel @p0 .LBB2_2-.Ltmp0, $4  }
0x14: {  	[tilespmem:s21+$0x3830] =	vst v0  }
0x15: {  	[tilespmem:s21+$0x3840] =	vst v0  }
0x16: {  	[tilespmem:s21+$0x3850] =	vst v0  }
0x17: {  	[tilespmem:s21+$0x3860] =	vst v0;
	s21 =	sshra.s32 s22, $0x2;
	s22 =	sadd.s32 $0x200, s22  }
0x18: {  	[tilespmem:s21+$0x3870] =	vst v0  }
0x19: {  	[tilespmem:s21+$0x3800] =	vst v0  }
0x1a: {  	[tilespmem:s21+$0x3810] =	vst v0  }
0x1b: {  	[tilespmem:s21+$0x3820] =	vst v0  }
0x1c: {  	[tilespmem:s21+$0x3830] =	vst v0  }
0x1d: {  	[tilespmem:s21+$0x3840] =	vst v0;
	p0 =	sne.s32 s6, $0x1  }
.Ltmp1:
0x1e: {  	[tilespmem:s21+$0x3850] =	vst v0;
	(pc) =	sbr.rel @!p0 .LBB2_5-.Ltmp1, $4  }
0x1f: {  	[tilespmem:s21+$0x3860] =	vst v0  }
0x20: {  	[spmem:s10] =	stream.linear.scatter [tilespmem:s11], [sflag:$0x3], $0x1400, $0x38;
	[tilespmem:$0x1C080] =	vst v63  }
0x21: {  	_ =	swait.ge [sflag:s12], $0x1400  }
0x22: {  	s21 =	sadd.s32 $0xFFFFFFFF, s6;
	s22 =	smov.u32 s10;
	[sflag:s12] =	ssyncset.done $0x0  }
.LBB2_4:
0x23: {  	p1 =	sne.s32 s21, $0x1;
	[sflag:s12] =	ssyncadd.s32 $0xFFFFEC00;
	s22 =	sadd.s32 $0x14000, s22  }
.Ltmp2:
0x24: {  	s21 =	sadd.s32 $0xFFFFFFFF, s21;
	(pc) =	sbr.rel @p1 .LBB2_4-.Ltmp2, $4  }
0x25: {  	_ = 	snop  }
0x26: {  	[spmem:s22] =	stream.linear.scatter [tilespmem:s11], [sflag:$0x3], $0x1400, $0x38;
	[tilespmem:$0x1C080] =	vst v63  }
0x27: {  	_ =	swait.ge [sflag:s12], $0x1400  }
0x28: {  	[sflag:s12] =	ssyncset.done $0x0  }
.LBB2_5:
0x29: {  	[sflag:s12] =	ssyncadd.s32 $0xFFFFEC00  }
0x2a: {  	s21 =	simm.s32 $0x0;
	s22 =	simm.s32 $0x0;
	[bflag:$0x0] =	sbarrier.arrive $0xFFFF  }
.LBB2_6:
0x2b: {  	s23 =	smul.u32 $0x380, s22;
	_ =	sdelay $0x1  }
0x2c: {  	s24 =	sadd.s32 s23, s7  }
0x2d: {  	[tilespmem:s21], [sflag:$0x3] =	stream.linear.gather [hbm4b:s24+s21], $0x1900, $0x38;
	[tilespmem:$0x1C080] =	vst v63  }
0x2e: {  	_ =	swait.ge [sflag:s12], $0x1900  }
0x2f: {  	[sflag:s12] =	ssyncset.done $0x0  }
0x30: {  	s23 =	sadd.s32 s23, s8;
	[sflag:s12] =	ssyncadd.s32 $0xFFFFE700  }
0x31: {  	[tilespmem:s13], [sflag:$0x3] =	stream.linear.gather [hbm4b:s23+s21], $0x1900, $0x38;
	[tilespmem:$0x1C080] =	vst v63  }
0x32: {  	_ =	swait.ge [sflag:s12], $0x1900  }
0x33: {  	[sflag:s12] =	ssyncset.done $0x0  }
0x34: {  	[sflag:s12] =	ssyncadd.s32 $0xFFFFE700  }
0x35: {  	[tilespmem:s11], [sflag:$0x1] =	stream.indirect.gather [hbm4b:s1+s14], $0x80, s21, s14, $0xb8;
	[tilespmem:$0x1C080] =	vst v63  }
0x36: {  	s23 =	simm.s32 $0x0  }
0x37: {  	[tilespmem:s15], [sflag:$0x1] =	stream.indirect.gather [hbm4b:s5+s14], $0x80, s13, s14, $0xb8;
	[tilespmem:$0x1C080] =	vst v63  }
.LBB2_7:
0x38: {  	_ =	swait.ge [sflag:s16], $0x1400  }
0x39: {  	[sflag:s16] =	ssyncset.done $0x0  }
0x3a: {  	[sflag:s16] =	ssyncadd.s32 $0xFFFFEC00  }
0x3b: {  	_ =	swait.ge [sflag:s16], $0x1400  }
0x3c: {  	s24 =	sshllo.u32 s23, $0x1;
	[sflag:s16] =	ssyncset.done $0x0  }
0x3d: {  	s24 =	sshll.u32 s24, $0x7;
	[sflag:s16] =	ssyncadd.s32 $0xFFFFEC00  }
0x3e: {  	[tilespmem:s17], [sflag:$0x2] =	stream.indirect.gather [hbm4b:s1+s14], $0x80, s24, s14, $0xb8;
	[tilespmem:$0x1C080] =	vst v63  }
0x3f: {  	s25 =	sadd.s32 $0x1C00, s24  }
0x40: {  	[tilespmem:s18], [sflag:$0x2] =	stream.indirect.gather [hbm4b:s5+s14], $0x80, s25, s14, $0xb8;
	[tilespmem:$0x1C080] =	vst v63  }
0x41: {  	s25 =	simm.s32 $0x0  }
0x42: {  	v7 =	vld [tilespmem:s25+$0x6000]  }
0x43: {  	v12 =	vld [tilespmem:s25+$0x6010]  }
0x44: {  	v6 =	vld [tilespmem:s25+$0x6020]  }
0x45: {  	v5 =	vld [tilespmem:s25+$0x6030]  }
0x46: {  	v4 =	vld [tilespmem:s25+$0x6040]  }
0x47: {  	v3 =	vld [tilespmem:s25+$0x6050]  }
0x48: {  	v2 =	vld [tilespmem:s25+$0x6060]  }
0x49: {  	v1 =	vld [tilespmem:s25+$0x6070]  }
0x4a: {  	v13 =	vld [tilespmem:s25+$0x3800]  }
0x4b: {  	v14 =	vld [tilespmem:s25+$0x3810]  }
0x4c: {  	v11 =	vld [tilespmem:s25+$0x3820]  }
0x4d: {  	v10 =	vld [tilespmem:s25+$0x3830]  }
0x4e: {  	v9 =	vld [tilespmem:s25+$0x3840]  }
0x4f: {  	v8 =	vld [tilespmem:s25+$0x3850];
	v13 =	vadd.f32 v7, v13  }
0x50: {  	s26 =	simm.s32 $0x200;
	v12 =	vadd.f32 v12, v14;
	v7 =	vld [tilespmem:s25+$0x3860]  }
.LBB2_8:
0x51: {  	s28 =	sshra.s32 s26, $0x2;
	p1 =	sne.s32 s26, $0x4E00;
	v13 =	vmax.f32 v13, $0.0e+00;
	v6 =	vadd.f32 v6, v11;
	v11 =	vld [tilespmem:s25+$0x3870]  }
0x52: {  	v14 =	vld [tilespmem:s28+$0x6000];
	[tilespmem:s25+$0x3800] =	vst v13;
	v12 =	vmax.f32 v12, $0.0e+00;
	v5 =	vadd.f32 v5, v10  }
0x53: {  	v15 =	vld [tilespmem:s28+$0x6010];
	[tilespmem:s25+$0x3810] =	vst v12;
	v10 =	vmax.f32 v6, $0.0e+00;
	v4 =	vadd.f32 v4, v9  }
0x54: {  	v6 =	vld [tilespmem:s28+$0x6020];
	[tilespmem:s25+$0x3820] =	vst v10;
	v9 =	vmax.f32 v5, $0.0e+00;
	v3 =	vadd.f32 v3, v8  }
0x55: {  	v5 =	vld [tilespmem:s28+$0x6030];
	[tilespmem:s25+$0x3830] =	vst v9;
	v8 =	vmax.f32 v4, $0.0e+00;
	v2 =	vadd.f32 v2, v7  }
0x56: {  	v4 =	vld [tilespmem:s28+$0x6040];
	[tilespmem:s25+$0x3840] =	vst v8;
	v7 =	vmax.f32 v3, $0.0e+00;
	v1 =	vadd.f32 v1, v11  }
0x57: {  	v3 =	vld [tilespmem:s28+$0x6050];
	[tilespmem:s25+$0x3850] =	vst v7;
	v7 =	vmax.f32 v2, $0.0e+00  }
0x58: {  	v2 =	vld [tilespmem:s28+$0x6060];
	[tilespmem:s25+$0x3860] =	vst v7;
	v7 =	vmax.f32 v1, $0.0e+00  }
0x59: {  	v1 =	vld [tilespmem:s28+$0x6070];
	[tilespmem:s25+$0x3870] =	vst v7;
	s25 =	smov.u32 s28  }
0x5a: {  	v7 =	vld [tilespmem:s25+$0x3800]  }
0x5b: {  	v12 =	vld [tilespmem:s25+$0x3810]  }
.Ltmp3:
0x5c: {  	v11 =	vld [tilespmem:s25+$0x3820];
	(pc) =	sbr.rel @p1 .LBB2_8-.Ltmp3, $4  }
0x5d: {  	v10 =	vld [tilespmem:s25+$0x3830]  }
0x5e: {  	v9 =	vld [tilespmem:s25+$0x3840]  }
0x5f: {  	v13 =	vadd.f32 v14, v7;
	v8 =	vld [tilespmem:s25+$0x3850]  }
0x60: {  	s26 =	sadd.s32 $0x200, s26;
	v12 =	vadd.f32 v15, v12;
	v7 =	vld [tilespmem:s25+$0x3860]  }
0x61: {  	v13 =	vmax.f32 v13, $0.0e+00;
	v6 =	vadd.f32 v6, v11;
	v11 =	vld [tilespmem:s25+$0x3870]  }
0x62: {  	[tilespmem:s25+$0x3800] =	vst v13;
	v12 =	vmax.f32 v12, $0.0e+00;
	v5 =	vadd.f32 v5, v10  }
0x63: {  	[tilespmem:s25+$0x3810] =	vst v12;
	v6 =	vmax.f32 v6, $0.0e+00;
	v4 =	vadd.f32 v4, v9  }
0x64: {  	[tilespmem:s25+$0x3820] =	vst v6;
	v5 =	vmax.f32 v5, $0.0e+00;
	v3 =	vadd.f32 v3, v8  }
0x65: {  	[tilespmem:s25+$0x3830] =	vst v5;
	v4 =	vmax.f32 v4, $0.0e+00;
	v2 =	vadd.f32 v2, v7  }
0x66: {  	[tilespmem:s25+$0x3840] =	vst v4;
	v3 =	vmax.f32 v3, $0.0e+00;
	v1 =	vadd.f32 v1, v11  }
0x67: {  	s26 =	sshll.u32 s23, $0x8;
	[tilespmem:s25+$0x3850] =	vst v3;
	v2 =	vmax.f32 v2, $0.0e+00  }
0x68: {  	s26 =	sand.u32 $0x3FFFFF00, s26;
	[tilespmem:s25+$0x3860] =	vst v2;
	v1 =	vmax.f32 v1, $0.0e+00  }
0x69: {  	s31 =	sadd.s32 $0x1C00, s26;
	[tilespmem:s25+$0x3870] =	vst v1  }
0x6a: {  	[spmem:s3] =	stream.indirect.scatter.add.f32 [tilespmem:s11], [sflag:$0x3], $0x80, s31, s14, $0xb8;
	[tilespmem:$0x1C080] =	vst v63  }
0x6b: {  	_ =	swait.ge [sflag:s12], $0x1400  }
0x6c: {  	[sflag:s12] =	ssyncset.done $0x0  }
0x6d: {  	[sflag:s12] =	ssyncadd.s32 $0xFFFFEC00  }
0x6e: {  	_ =	swait.ge [sflag:s19], $0x1400  }
0x6f: {  	[sflag:s19] =	ssyncset.done $0x0  }
0x70: {  	[sflag:s19] =	ssyncadd.s32 $0xFFFFEC00  }
0x71: {  	p1 =	seq.s32 s23, $0x18;
	_ =	swait.ge [sflag:s19], $0x1400  }
0x72: {  	s28 =	simm.s32 @!p1 $0x28;
	s25 =	sshll.u32 @!p1 s23, $0x8;
	[sflag:s19] =	ssyncset.done $0x0  }
0x73: {  	s29 =	simm.s32 @!p1 $0x3800;
	s26 =	sadd.s32 @!p1 $0x100, s25;
	[sflag:s19] =	ssyncadd.s32 $0xFFFFEC00  }
0x74: {  	[tilespmem:s29], [sflag:$0x1] =	stream.indirect.gather @!p1 [hbm4b:s1+s28], $0x80, s26, s28, $0xb8;
	[tilespmem:$0x1C080] =	vst v63  }
0x75: {  	s25 =	sadd.s32 @!p1 $0x1D00, s25;
	s26 =	simm.s32 @!p1 $0x6000  }
0x76: {  	[tilespmem:s26], [sflag:$0x1] =	stream.indirect.gather @!p1 [hbm4b:s5+s28], $0x80, s25, s28, $0xb8;
	[tilespmem:$0x1C080] =	vst v63  }
0x77: {  	s25 =	simm.s32 $0x0  }
0x78: {  	v7 =	vld [tilespmem:s25+$0x7400]  }
0x79: {  	v12 =	vld [tilespmem:s25+$0x7410]  }
0x7a: {  	v6 =	vld [tilespmem:s25+$0x7420]  }
0x7b: {  	v5 =	vld [tilespmem:s25+$0x7430]  }
0x7c: {  	v4 =	vld [tilespmem:s25+$0x7440]  }
0x7d: {  	v3 =	vld [tilespmem:s25+$0x7450]  }
0x7e: {  	v2 =	vld [tilespmem:s25+$0x7460]  }
0x7f: {  	v1 =	vld [tilespmem:s25+$0x7470]  }
0x80: {  	v13 =	vld [tilespmem:s25+$0x4C00]  }
0x81: {  	v14 =	vld [tilespmem:s25+$0x4C10]  }
0x82: {  	v11 =	vld [tilespmem:s25+$0x4C20]  }
0x83: {  	v10 =	vld [tilespmem:s25+$0x4C30]  }
0x84: {  	v9 =	vld [tilespmem:s25+$0x4C40]  }
0x85: {  	v8 =	vld [tilespmem:s25+$0x4C50];
	v13 =	vadd.f32 v7, v13  }
0x86: {  	s26 =	simm.s32 $0x200;
	v12 =	vadd.f32 v12, v14;
	v7 =	vld [tilespmem:s25+$0x4C60]  }
.LBB2_10:
0x87: {  	s28 =	sshra.s32 s26, $0x2;
	p1 =	sne.s32 s26, $0x4E00;
	v13 =	vmax.f32 v13, $0.0e+00;
	v6 =	vadd.f32 v6, v11;
	v11 =	vld [tilespmem:s25+$0x4C70]  }
0x88: {  	v14 =	vld [tilespmem:s28+$0x7400];
	[tilespmem:s25+$0x4C00] =	vst v13;
	v12 =	vmax.f32 v12, $0.0e+00;
	v5 =	vadd.f32 v5, v10  }
0x89: {  	v15 =	vld [tilespmem:s28+$0x7410];
	[tilespmem:s25+$0x4C10] =	vst v12;
	v10 =	vmax.f32 v6, $0.0e+00;
	v4 =	vadd.f32 v4, v9  }
0x8a: {  	v6 =	vld [tilespmem:s28+$0x7420];
	[tilespmem:s25+$0x4C20] =	vst v10;
	v9 =	vmax.f32 v5, $0.0e+00;
	v3 =	vadd.f32 v3, v8  }
0x8b: {  	v5 =	vld [tilespmem:s28+$0x7430];
	[tilespmem:s25+$0x4C30] =	vst v9;
	v8 =	vmax.f32 v4, $0.0e+00;
	v2 =	vadd.f32 v2, v7  }
0x8c: {  	v4 =	vld [tilespmem:s28+$0x7440];
	[tilespmem:s25+$0x4C40] =	vst v8;
	v7 =	vmax.f32 v3, $0.0e+00;
	v1 =	vadd.f32 v1, v11  }
0x8d: {  	v3 =	vld [tilespmem:s28+$0x7450];
	[tilespmem:s25+$0x4C50] =	vst v7;
	v7 =	vmax.f32 v2, $0.0e+00  }
0x8e: {  	v2 =	vld [tilespmem:s28+$0x7460];
	[tilespmem:s25+$0x4C60] =	vst v7;
	v7 =	vmax.f32 v1, $0.0e+00  }
0x8f: {  	v1 =	vld [tilespmem:s28+$0x7470];
	[tilespmem:s25+$0x4C70] =	vst v7;
	s25 =	smov.u32 s28  }
0x90: {  	v7 =	vld [tilespmem:s25+$0x4C00]  }
0x91: {  	v12 =	vld [tilespmem:s25+$0x4C10]  }
.Ltmp4:
0x92: {  	v11 =	vld [tilespmem:s25+$0x4C20];
	(pc) =	sbr.rel @p1 .LBB2_10-.Ltmp4, $4  }
0x93: {  	v10 =	vld [tilespmem:s25+$0x4C30]  }
0x94: {  	v9 =	vld [tilespmem:s25+$0x4C40]  }
0x95: {  	v13 =	vadd.f32 v14, v7;
	v8 =	vld [tilespmem:s25+$0x4C50]  }
0x96: {  	s26 =	sadd.s32 $0x200, s26;
	v12 =	vadd.f32 v15, v12;
	v7 =	vld [tilespmem:s25+$0x4C60]  }
0x97: {  	v13 =	vmax.f32 v13, $0.0e+00;
	v6 =	vadd.f32 v6, v11;
	v63 =	vld [tilespmem:s25+$0x4C70]  }
0x98: {  	[tilespmem:s25+$0x4C00] =	vst v13;
	v12 =	vmax.f32 v12, $0.0e+00;
	v5 =	vadd.f32 v5, v10  }
0x99: {  	[tilespmem:s25+$0x4C10] =	vst v12;
	v6 =	vmax.f32 v6, $0.0e+00;
	v4 =	vadd.f32 v4, v9  }
0x9a: {  	[tilespmem:s25+$0x4C20] =	vst v6;
	v5 =	vmax.f32 v5, $0.0e+00;
	v3 =	vadd.f32 v3, v8  }
0x9b: {  	[tilespmem:s25+$0x4C30] =	vst v5;
	v4 =	vmax.f32 v4, $0.0e+00;
	v2 =	vadd.f32 v2, v7  }
0x9c: {  	[tilespmem:s25+$0x4C40] =	vst v4;
	v3 =	vmax.f32 v3, $0.0e+00;
	v1 =	vadd.f32 v1, v63  }
0x9d: {  	s23 =	sadd.s32 $0x1, s23;
	[tilespmem:s25+$0x4C50] =	vst v3;
	v2 =	vmax.f32 v2, $0.0e+00  }
0x9e: {  	s24 =	sand.u32 $0x3FFFFF80, s24;
	p1 =	sne.s32 s23, $0x19;
	[tilespmem:s25+$0x4C60] =	vst v2;
	v1 =	vmax.f32 v1, $0.0e+00  }
.Ltmp5:
0x9f: {  	s24 =	sadd.s32 $0x1C00, s24;
	[tilespmem:s25+$0x4C70] =	vst v1;
	(pc) =	sbr.rel @p1 .LBB2_7-.Ltmp5, $4  }
0xa0: {  	[spmem:s3] =	stream.indirect.scatter.add.f32 [tilespmem:s17], [sflag:$0x3], $0x80, s24, s14, $0xb8;
	[tilespmem:$0x1C080] =	vst v63  }
0xa1: {  	_ =	swait.ge [sflag:s12], $0x1400  }
0xa2: {  	[sflag:s12] =	ssyncset.done $0x0  }
0xa3: {  	[sflag:s12] =	ssyncadd.s32 $0xFFFFEC00  }
0xa4: {  	s22 =	sadd.s32 $0x1, s22  }
0xa5: {  	p1 =	sne.s32 s22, $0x5  }
.Ltmp6:
0xa6: {  	_ = 	snop;
	(pc) =	sbr.rel @p1 .LBB2_6-.Ltmp6, $1  }
0xa7: {  	_ =	sdelay $0x3  }
.Ltmp7:
0xa8: {  	(pc) =	sbr.rel @!p0 .LBB2_15-.Ltmp7, $4  }
0xa9: {  	s21 =	sshll.u32 s0, $0x6;
	[bflag:$0x0] =	sbarrier.arrive $0xFFFF  }
0xaa: {  	s22 =	sshrl.u32 s10, $0x3;
	s23 =	sadd.s32 $0x2800, s20;
	s21 =	sor.u32 $0x1C03, s21  }
0xab: {  	[hbm:s20], [sflag:s21] =	dma.local [spmem:s22], $0x280  }
0xac: {  	s24 =	smov.u32 s10;
	s22 =	sadd.s32 $0xFFFFFFFF, s6;
	_ =	swait.ge [sflag:s12], $0x280  }
.LBB2_14:
0xad: {  	[sflag:s12] =	ssyncset.done $0x0;
	s24 =	sadd.s32 $0x14000, s24;
	p0 =	sne.s32 s22, $0x1  }
.Ltmp8:
0xae: {  	s25 =	sshrl.u32 s24, $0x3;
	[sflag:s12] =	ssyncadd.s32 $0xFFFFFD80;
	(pc) =	sbr.rel @p0 .LBB2_14-.Ltmp8, $3  }
0xaf: {  	[hbm:s23], [sflag:s21] =	dma.local [spmem:s25], $0x280  }
0xb0: {  	s22 =	sadd.s32 $0xFFFFFFFF, s22;
	_ =	sdelay $0x1  }
0xb1: {  	s23 =	sadd.s32 $0x2800, s23;
	_ =	swait.ge [sflag:s12], $0x280  }
.LBB2_15:
0xb2: {  	s4 =	sadd.s32 $0x1, s4  }
0xb3: {  	p0 =	sne.s32 s4, s9  }
.Ltmp9:
0xb4: {  	_ = 	snop;
	(pc) =	sbr.rel @p0 .LBB2_1-.Ltmp9, $3  }
0xb5: {  	_ =	sdelay $0x1  }
0xb6: {  	[sflag:s12] =	ssyncset.done $0x0  }
0xb7: {  	[sflag:s12] =	ssyncadd.s32 $0xFFFFFD80  }
0xb8: {  	_ =	sfence.sel $0x180000  }
0xb9: {  	[bflag:$0x0] =	sbarrier.arrive $0xFFFF  }
0xba: {  	p0 =	sne.s32 s0, $0x0;
	_ =	strace $0x90000047  }
0xbb: {  	s0 =	sadd.s32 @!p0 $0x100000, s2;
	[bflag:$0x2] =	sbarrier.arrive $0xFFFF  }
0xbc: {  	[sflag:s0] =	ssyncadd.tile.s32 @!p0 $0x1;
	_ =	shalt  }
.Lfunc_end2:
_tile_overlayer_lowered:
.L_overlay_start_2:
0xbd: {  	(tag) =	ssettag $0x2  }
0xbe: {  	s0 =	rddreg [dreg:$0x0];
	s2 =	stileid.u32  }
0xbf: {  	s1 =	rddreg [dreg:$0x1];
	p0 =	sne.s32 s2, $0x0  }
0xc0: {  	s3 =	rddreg [dreg:$0x2];
	[bflag:$0x3] =	sbarrier.arrive $0xFFFF;
	s2 =	simm.s32 @!p0 $0x1C03  }
0xc1: {  	[timem:s3], [sflag:s2] =	dma.local @!p0 [hbm:s0], s1  }
0xc2: {  	s0 =	simm.s32 @!p0 $0x3  }
0xc3: {  	_ =	swait.ge @!p0 [sflag:s0], s1  }
0xc4: {  	s1 =	ssub.s32 @!p0 $0x0, s1;
	[sflag:s0] =	ssyncset.done @!p0 $0x0  }
0xc5: {  	[sflag:s0] =	ssyncadd.s32 @!p0 s1  }
0xc6: {  	[bflag:$0x3] =	sbarrier.arrive $0xFFFF  }
0xc7: {  	_ =	shalt  }

</sc_bundles>
